<compile_context>
chip_gen: v7x
topology: tpu7x:2x2x1
jax: 0.10.2.dev20260603
libtpu: 0.0.44.dev20260713+nightly
codegen_flags: <defaults>
</compile_context>

<pallas_src>
import functools

import jax
import jax.numpy as jnp
from jax import lax
from jax.experimental import pallas as pl
from jax.experimental.pallas import tpu as pltpu
from jax.experimental.pallas import tpu_sc as plsc

B = 1
S = 2048
T = B * S
D = 1024
E = 8
K = 2
H = 2048
LANES = 128
TB = 256
M = 256
NBLK = 23
DUMP = NBLK
P = (NBLK + 1) * M
NC = 2
NS = 16
NW = NC * NS
TPW = T // NW
L = 16
RSH = 4096
NEG = -1e30


def _gate_body(x_ref, gw_ref, codes_ref, gates_ref, stats_ref, meta_ref):
    i = pl.program_id(0)
    nblk = pl.num_programs(0)
    xblk = x_ref[...]
    logits = jnp.dot(xblk, gw_ref[...], preferred_element_type=jnp.float32)
    cols = jax.lax.broadcasted_iota(jnp.int32, (TB, LANES), 1)
    valid = cols < E
    logits = jnp.where(valid, logits, NEG)
    mx = jnp.max(logits, axis=1, keepdims=True)
    ex = jnp.where(valid, jnp.exp(logits - mx), 0.0)
    denom = jnp.sum(ex, axis=1, keepdims=True)
    probs = ex / denom

    v1 = jnp.max(probs, axis=1, keepdims=True)
    i1 = jnp.min(jnp.where(probs == v1, cols, LANES), axis=1, keepdims=True)
    probs2 = jnp.where(cols == i1, -1.0, probs)
    v2 = jnp.max(probs2, axis=1, keepdims=True)
    i2 = jnp.min(jnp.where(probs2 == v2, cols, LANES), axis=1, keepdims=True)

    gd = v1 + v2 + 1e-9
    g1 = v1 / gd
    g2 = v2 / gd
    m1 = (cols == i1).astype(jnp.float32)
    m2 = (cols == i2).astype(jnp.float32)
    lane0 = (cols == 0).astype(jnp.float32)
    lane1 = (cols == 1).astype(jnp.float32)

    @pl.when(i == 0)
    def _():
        stats_ref[...] = jnp.zeros_like(stats_ref)

    run = stats_ref[0:1, :]
    msum = m1 + m2
    rows_i = jax.lax.broadcasted_iota(jnp.int32, (TB, TB), 0)
    cols_i = jax.lax.broadcasted_iota(jnp.int32, (TB, TB), 1)
    tri = (rows_i > cols_i).astype(jnp.float32)
    excl = jnp.dot(tri, msum, preferred_element_type=jnp.float32) + run
    r1 = jnp.sum(excl * m1, axis=1, keepdims=True).astype(jnp.int32)
    r2 = jnp.sum(excl * m2, axis=1, keepdims=True).astype(jnp.int32)

    code1 = i1 * RSH + r1
    code2 = i2 * RSH + r2
    codes_ref[...] = code1 * (cols == 0) + code2 * (cols == 1)
    gates_ref[...] = g1 * lane0 + g2 * lane1

    count_row = jnp.sum(msum, axis=0, keepdims=True)
    m_row = jnp.sum(probs, axis=0, keepdims=True)
    stats_ref[0:1, :] += count_row
    stats_ref[1:2, :] += m_row

    @pl.when(i == nblk - 1)
    def _():
        f = stats_ref[0:1, :] * (1.0 / T)
        m = stats_ref[1:2, :] * (1.0 / T)
        aux = E * jnp.sum(f * m)
        stats_ref[2:3, :] = jnp.full((1, LANES), aux, jnp.float32)

        counts = stats_ref[0:1, :]
        nblk_f = jnp.floor((counts + (M - 1)) * (1.0 / M))
        li = jax.lax.broadcasted_iota(jnp.int32, (LANES, LANES), 0)
        lj = jax.lax.broadcasted_iota(jnp.int32, (LANES, LANES), 1)
        triu = (li <= lj).astype(jnp.float32)
        csum = jnp.dot(nblk_f, triu, preferred_element_type=jnp.float32)
        seg_excl = (csum - nblk_f) * M
        bst_excl = csum - nblk_f
        total_b = csum[0:1, E - 1:E]
        b_iota = jax.lax.broadcasted_iota(
            jnp.int32, (1, LANES), 1).astype(jnp.float32)
        e_of_b = jnp.zeros((1, LANES), jnp.float32)
        for e in range(E):
            e_of_b = e_of_b + (b_iota >= csum[0:1, e:e + 1]).astype(jnp.float32)
        seg_of_b = jnp.zeros((1, LANES), jnp.float32)
        bst_of_b = jnp.zeros((1, LANES), jnp.float32)
        for e in range(E):
            sel = (e_of_b == e).astype(jnp.float32)
            seg_of_b = seg_of_b + sel * seg_excl[0:1, e:e + 1]
            bst_of_b = bst_of_b + sel * bst_excl[0:1, e:e + 1]
        j_of_b = b_iota - bst_of_b
        validb = b_iota < total_b
        meta_ref[0:1, :] = jnp.where(validb, e_of_b, 0.0).astype(jnp.int32)
        meta_ref[1:2, :] = jnp.where(
            validb, seg_of_b * (1.0 / M) + j_of_b,
            float(DUMP)).astype(jnp.int32)
        meta_ref[2:3, :] = validb.astype(jnp.int32)
        meta_ref[3:4, :] = seg_excl.astype(jnp.int32)


def _vgather16(vec, idx):
    dnums = lax.GatherDimensionNumbers(
        offset_dims=(), collapsed_slice_dims=(0,), start_index_map=(0,))
    return lax.gather(vec, idx[:, None], dnums, (1,),
                      mode=lax.GatherScatterMode.PROMISE_IN_BOUNDS)


def _sc_dispatch_body(x_hbm, c0_hbm, c1_hbm, segb_hbm,
                      xs_hbm, s0_hbm, s1_hbm,
                      segb_v, c0_v, c1_v, s0a_v, s0b_v, s1a_v, s1b_v, slab_v,
                      sem_a, sem_b, sem_c):
    wid = lax.axis_index("s") * NC + lax.axis_index("c")
    base = wid * TPW
    hw = TPW // 2
    slab_cp = pltpu.async_copy(x_hbm.at[pl.ds(base, TPW)], slab_v, sem_a)
    pltpu.sync_copy(segb_hbm, segb_v)
    pltpu.sync_copy(c0_hbm.at[pl.ds(base, TPW)], c0_v)
    pltpu.sync_copy(c1_hbm.at[pl.ds(base, TPW)], c1_v)
    seg_vec = segb_v[...]
    for i in range(TPW // L):
        sl = pl.ds(i * L, L)
        dsl = pl.ds((i % (hw // L)) * L, L)
        s0h = s0a_v if i < hw // L else s0b_v
        s1h = s1a_v if i < hw // L else s1b_v
        c0 = c0_v[sl]
        c1 = c1_v[sl]
        s0h[dsl] = (_vgather16(seg_vec, lax.shift_right_logical(c0, 12))
                    + (c0 & (RSH - 1)))
        s1h[dsl] = (_vgather16(seg_vec, lax.shift_right_logical(c1, 12))
                    + (c1 & (RSH - 1)))
    pltpu.sync_copy(s0a_v, s0_hbm.at[wid, 0])
    pltpu.sync_copy(s0b_v, s0_hbm.at[wid, 1])
    pltpu.sync_copy(s1a_v, s1_hbm.at[wid, 0])
    pltpu.sync_copy(s1b_v, s1_hbm.at[wid, 1])
    slab_cp.wait()
    sc0 = pltpu.async_copy(slab_v.at[pl.ds(0, hw)], xs_hbm.at[s0a_v], sem_b)
    sc1 = pltpu.async_copy(slab_v.at[pl.ds(hw, hw)], xs_hbm.at[s0b_v], sem_c)
    sc2 = pltpu.async_copy(slab_v.at[pl.ds(0, hw)], xs_hbm.at[s1a_v], sem_b)
    sc3 = pltpu.async_copy(slab_v.at[pl.ds(hw, hw)], xs_hbm.at[s1b_v], sem_c)
    sc0.wait()
    sc1.wait()
    sc2.wait()
    sc3.wait()


NH = 2
HB = H // NH


def _ffn_body(be_ref, bp_ref, bv_ref, xs_ref, w1_ref, b1_ref, w2_ref, b2_ref,
              out_ref):
    b = pl.program_id(0)
    hc = pl.program_id(1)

    @pl.when(bv_ref[b] > 0)
    def _():
        hpart = jnp.dot(xs_ref[...], w1_ref[...],
                        preferred_element_type=jnp.float32)
        hpart = jnp.maximum(hpart + b1_ref[0], 0.0)
        contrib = jnp.dot(hpart, w2_ref[...],
                          preferred_element_type=jnp.float32)

        @pl.when(hc == 0)
        def _():
            out_ref[...] = contrib + b2_ref[0]

        @pl.when(hc != 0)
        def _():
            out_ref[...] += contrib


def _sc_gather_body(contrib_hbm, s0_hbm, s1_hbm, r0_hbm, r1_hbm,
                    s0a_v, s0b_v, s1a_v, s1b_v, buf_a, buf_b,
                    sem_a, sem_b):
    wid = lax.axis_index("s") * NC + lax.axis_index("c")
    base = wid * TPW
    hw = TPW // 2
    pltpu.sync_copy(s0_hbm.at[wid, 0], s0a_v)
    pltpu.sync_copy(s0_hbm.at[wid, 1], s0b_v)
    pltpu.sync_copy(s1_hbm.at[wid, 0], s1a_v)
    pltpu.sync_copy(s1_hbm.at[wid, 1], s1b_v)
    ga = pltpu.async_copy(contrib_hbm.at[s0a_v], buf_a, sem_a)
    gb = pltpu.async_copy(contrib_hbm.at[s0b_v], buf_b, sem_b)
    ga.wait()
    pltpu.sync_copy(buf_a, r0_hbm.at[pl.ds(base, hw)])
    ga2 = pltpu.async_copy(contrib_hbm.at[s1a_v], buf_a, sem_a)
    gb.wait()
    pltpu.sync_copy(buf_b, r0_hbm.at[pl.ds(base + hw, hw)])
    gb2 = pltpu.async_copy(contrib_hbm.at[s1b_v], buf_b, sem_b)
    ga2.wait()
    pltpu.sync_copy(buf_a, r1_hbm.at[pl.ds(base, hw)])
    gb2.wait()
    pltpu.sync_copy(buf_b, r1_hbm.at[pl.ds(base + hw, hw)])


def _combine_body(r0_ref, r1_ref, gates_ref, y_ref):
    cols = jax.lax.broadcasted_iota(jnp.int32, (M, LANES), 1)
    g = gates_ref[...]
    g1 = jnp.sum(g * (cols == 0), axis=1, keepdims=True)
    g2 = jnp.sum(g * (cols == 1), axis=1, keepdims=True)
    y_ref[...] = r0_ref[...] * g1 + r1_ref[...] * g2


@jax.jit
def _moe(x, gate_W, W1, b1, W2, b2):
    xt = x.reshape(T, D)
    gwt = jnp.pad(gate_W.T, ((0, 0), (0, LANES - E)))

    codes, gates, stats, meta = pl.pallas_call(
        _gate_body,
        grid=(T // TB,),
        in_specs=[
            pl.BlockSpec((TB, D), lambda i: (i, 0)),
            pl.BlockSpec((D, LANES), lambda i: (0, 0)),
        ],
        out_specs=[
            pl.BlockSpec((TB, LANES), lambda i: (i, 0)),
            pl.BlockSpec((TB, LANES), lambda i: (i, 0)),
            pl.BlockSpec((8, LANES), lambda i: (0, 0)),
            pl.BlockSpec((8, LANES), lambda i: (0, 0)),
        ],
        out_shape=[
            jax.ShapeDtypeStruct((T, LANES), jnp.int32),
            jax.ShapeDtypeStruct((T, LANES), jnp.float32),
            jax.ShapeDtypeStruct((8, LANES), jnp.float32),
            jax.ShapeDtypeStruct((8, LANES), jnp.int32),
        ],
    )(xt, gwt)

    blk_expert = meta[0, :NBLK]
    blk_pos = meta[1, :NBLK]
    blk_valid = meta[2, :NBLK]
    seg_base16 = meta[3, :L]
    c0 = codes[:, 0]
    c1 = codes[:, 1]

    mesh = plsc.VectorSubcoreMesh(core_axis_name="c", subcore_axis_name="s")
    xs, s0, s1 = pl.kernel(
        _sc_dispatch_body,
        out_type=[
            jax.ShapeDtypeStruct((P, D), jnp.float32),
            jax.ShapeDtypeStruct((NW, 2, TPW // 2), jnp.int32),
            jax.ShapeDtypeStruct((NW, 2, TPW // 2), jnp.int32),
        ],
        mesh=mesh,
        scratch_types=[
            pltpu.VMEM((L,), jnp.int32),
            pltpu.VMEM((TPW,), jnp.int32),
            pltpu.VMEM((TPW,), jnp.int32),
            pltpu.VMEM((TPW // 2,), jnp.int32),
            pltpu.VMEM((TPW // 2,), jnp.int32),
            pltpu.VMEM((TPW // 2,), jnp.int32),
            pltpu.VMEM((TPW // 2,), jnp.int32),
            pltpu.VMEM((TPW, D), jnp.float32),
            pltpu.SemaphoreType.DMA,
            pltpu.SemaphoreType.DMA,
            pltpu.SemaphoreType.DMA,
        ],
    )(xt, c0, c1, seg_base16)

    contrib = pl.pallas_call(
        _ffn_body,
        grid_spec=pltpu.PrefetchScalarGridSpec(
            num_scalar_prefetch=3,
            grid=(NBLK, NH),
            in_specs=[
                pl.BlockSpec((M, D), lambda b, h, be, bp, bv: (bp[b], 0)),
                pl.BlockSpec((D, HB), lambda b, h, be, bp, bv: (be[b], h)),
                pl.BlockSpec(
                    (1, 1, HB), lambda b, h, be, bp, bv: (be[b], 0, h)),
                pl.BlockSpec(
                    (HB, D), lambda b, h, be, bp, bv: (be[b] * NH + h, 0)),
                pl.BlockSpec(
                    (1, 1, D), lambda b, h, be, bp, bv: (be[b], 0, 0)),
            ],
            out_specs=pl.BlockSpec(
                (M, D), lambda b, h, be, bp, bv: (bp[b], 0)),
        ),
        out_shape=jax.ShapeDtypeStruct((P, D), jnp.float32),
    )(blk_expert, blk_pos, blk_valid, xs, W1.reshape(E * D, H),
      b1.reshape(E, 1, H), W2.reshape(E * H, D), b2.reshape(E, 1, D))

    r0, r1 = pl.kernel(
        _sc_gather_body,
        out_type=[
            jax.ShapeDtypeStruct((T, D), jnp.float32),
            jax.ShapeDtypeStruct((T, D), jnp.float32),
        ],
        mesh=plsc.VectorSubcoreMesh(core_axis_name="c", subcore_axis_name="s"),
        scratch_types=[
            pltpu.VMEM((TPW // 2,), jnp.int32),
            pltpu.VMEM((TPW // 2,), jnp.int32),
            pltpu.VMEM((TPW // 2,), jnp.int32),
            pltpu.VMEM((TPW // 2,), jnp.int32),
            pltpu.VMEM((TPW // 2, D), jnp.float32),
            pltpu.VMEM((TPW // 2, D), jnp.float32),
            pltpu.SemaphoreType.DMA,
            pltpu.SemaphoreType.DMA,
        ],
    )(contrib, s0, s1)

    y = pl.pallas_call(
        _combine_body,
        grid=(T // M,),
        in_specs=[
            pl.BlockSpec((M, D), lambda i: (i, 0)),
            pl.BlockSpec((M, D), lambda i: (i, 0)),
            pl.BlockSpec((M, LANES), lambda i: (i, 0)),
        ],
        out_specs=pl.BlockSpec((M, D), lambda i: (i, 0)),
        out_shape=jax.ShapeDtypeStruct((T, D), jnp.float32),
    )(r0, r1, gates)

    aux_loss = stats[2, 0]
    tokens_per_expert = stats[0, :E]
    return y.reshape(B, S, D), aux_loss, tokens_per_expert


def kernel(x, gate_W, W1, b1, W2, b2):
    return _moe(x, gate_W, W1, b1, W2, b2)

# --- scband reference (transcript-rebuilt; emitter-appended) ---
"""Pipeline reference for scband-mo-e-31662498906500 (READ-ONLY COPY).

The authoritative reference and input builder live on the scoring server;
editing this copy changes nothing except your own understanding.
"""

import jax, jax.numpy as jnp
import numpy as np

B = 1
S = 2048
D_MODEL = 1024
N_EXPERTS = 8
TOP_K = 2
D_HIDDEN = 2048
NORMALIZE_GATES = True


def setup_inputs(seed: int = 0) -> dict:
    key = jax.random.key(seed)
    ks = jax.random.split(key, 6)
    x = jax.random.normal(ks[0], (B, S, D_MODEL), dtype=jnp.float32)
    gate_W = jax.random.normal(ks[1], (N_EXPERTS, D_MODEL), dtype=jnp.float32) * (1.0 / np.sqrt(D_MODEL))
    W1 = jax.random.normal(ks[2], (N_EXPERTS, D_MODEL, D_HIDDEN), dtype=jnp.float32) * 0.02
    b1 = jnp.zeros((N_EXPERTS, D_HIDDEN), dtype=jnp.float32)
    W2 = jax.random.normal(ks[3], (N_EXPERTS, D_HIDDEN, D_MODEL), dtype=jnp.float32) * 0.02
    b2 = jnp.zeros((N_EXPERTS, D_MODEL), dtype=jnp.float32)
    return {"x": x, "gate_W": gate_W, "W1": W1, "b1": b1, "W2": W2, "b2": b2}


def reference(x, gate_W, W1, b1, W2, b2):
    T = B * S
    xt = x.reshape(T, D_MODEL)
    # gate: nn.Linear(d_model, n_experts, bias=False)
    logits = xt @ gate_W.T
    probs = jax.nn.softmax(logits, axis=-1)
    # top-k routing
    top_vals, top_idx = jax.lax.top_k(probs, TOP_K)
    if NORMALIZE_GATES:
        gates = top_vals / (jnp.sum(top_vals, axis=-1, keepdims=True) + 1e-9)
    else:
        gates = top_vals
    rows = jnp.arange(T)[:, None]
    combine = jnp.zeros((T, N_EXPERTS), dtype=jnp.float32).at[rows, top_idx].add(gates)
    # expert FFNs (two-layer MLP per expert), dense dispatch then weighted combine
    h = jnp.einsum('td,edh->teh', xt, W1) + b1[None, :, :]
    h = jax.nn.relu(h)
    out_e = jnp.einsum('teh,ehd->ted', h, W2) + b2[None, :, :]
    y = jnp.einsum('te,ted->td', combine, out_e)
    output_tensor = y.reshape(B, S, D_MODEL)
    # load-balancing auxiliary loss (Switch/GShard style)
    mask = jnp.zeros((T, N_EXPERTS), dtype=jnp.float32).at[rows, top_idx].add(1.0)
    f = mask.mean(axis=0)
    m = probs.mean(axis=0)
    aux_loss = N_EXPERTS * jnp.sum(f * m)
    # diagnostics: tokens routed per expert
    tokens_per_expert = mask.sum(axis=0)
    return (output_tensor, aux_loss, tokens_per_expert)

if __name__ == "__main__":
    import jax
    _d = setup_inputs()
    print(jax.jit(kernel)(*tuple(_d.values())))

</pallas_src>

<mosaic_0001>
#map = affine_map<(d0, d1) -> (0, 0)>
#map1 = affine_map<(d0, d1) -> (0)>
#map2 = affine_map<(d0, d1) -> (0, 0, 0)>
module attributes {stable_mosaic.version = 14 : i64} {
  func.func @_sc_dispatch_body(%arg0: i32, %arg1: i32, %arg2: memref<2048x1024xf32, #tpu.memory_space<hbm>>, %arg3: memref<2048xi32, #tpu.memory_space<hbm>>, %arg4: memref<2048xi32, #tpu.memory_space<hbm>>, %arg5: memref<16xi32, #tpu.memory_space<hbm>>, %arg6: memref<6144x1024xf32, #tpu.memory_space<hbm>>, %arg7: memref<32x2x32xi32, #tpu.memory_space<hbm>>, %arg8: memref<32x2x32xi32, #tpu.memory_space<hbm>>, %arg9: memref<16xi32, #tpu.memory_space<vmem>>, %arg10: memref<64xi32, #tpu.memory_space<vmem>>, %arg11: memref<64xi32, #tpu.memory_space<vmem>>, %arg12: memref<32xi32, #tpu.memory_space<vmem>>, %arg13: memref<32xi32, #tpu.memory_space<vmem>>, %arg14: memref<32xi32, #tpu.memory_space<vmem>>, %arg15: memref<32xi32, #tpu.memory_space<vmem>>, %arg16: memref<64x1024xf32, #tpu.memory_space<vmem>>, %arg17: memref<!tpu.dma_semaphore, #tpu.memory_space<semaphore_mem>>, %arg18: memref<!tpu.dma_semaphore, #tpu.memory_space<semaphore_mem>>, %arg19: memref<!tpu.dma_semaphore, #tpu.memory_space<semaphore_mem>>) attributes {dimension_semantics = [#tpu.dimension_semantics<core_parallel>, #tpu.dimension_semantics<subcore_parallel>], iteration_bounds = array<i64: 2, 16>, scalar_prefetch = 0 : i64, scratch_operands = 11 : i64, tpu.core_type = #tpu.core_type<sc_vector_subcore>, window_params = [{transform_indices = #map}, {transform_indices = #map1}, {transform_indices = #map1}, {transform_indices = #map1}, {transform_indices = #map}, {transform_indices = #map2}, {transform_indices = #map2}]} {
    %mul3A = arith.constant 2 : i32
    %mul3A_0 = arith.muli %arg1, %mul3A : i32
    %add3A = arith.addi %mul3A_0, %arg0 : i32
    %mul3A_1 = arith.constant 64 : i32
    %mul3A_2 = arith.muli %add3A, %mul3A_1 : i32
    %dma_start3A = arith.constant 0 : i32
    %dma_start3A_3 = tpu.memref_slice %arg2[%mul3A_2, %dma_start3A] : memref<2048x1024xf32, #tpu.memory_space<hbm>> -> memref<64x1024xf32, #tpu.memory_space<hbm>>
    %dma_start3A_4 = arith.constant 0 : i32
    %dma_start3A_5 = tpu.memref_slice %arg2[%mul3A_2, %dma_start3A_4] : memref<2048x1024xf32, #tpu.memory_space<hbm>> -> memref<64x1024xf32, #tpu.memory_space<hbm>>
    tpu.enqueue_dma source(%dma_start3A_5 : memref<64x1024xf32, #tpu.memory_space<hbm>>) target(%arg16 : memref<64x1024xf32, #tpu.memory_space<vmem>>) target_semaphore(%arg17 : memref<!tpu.dma_semaphore, #tpu.memory_space<semaphore_mem>>)
    "tpu.region"() ({
      %run_scoped3A_193 = tpu.sem_alloc : memref<!tpu.dma_semaphore, #tpu.memory_space<semaphore_mem>>
      tpu.enqueue_dma source(%arg5 : memref<16xi32, #tpu.memory_space<hbm>>) target(%arg9 : memref<16xi32, #tpu.memory_space<vmem>>) target_semaphore(%run_scoped3A_193 : memref<!tpu.dma_semaphore, #tpu.memory_space<semaphore_mem>>)
      tpu.wait_dma2 semaphore(%run_scoped3A_193 : memref<!tpu.dma_semaphore, #tpu.memory_space<semaphore_mem>>) src(%arg5 : memref<16xi32, #tpu.memory_space<hbm>>) dst(%arg9 : memref<16xi32, #tpu.memory_space<vmem>>)
      tpu.yield
    }) : () -> ()
    "tpu.region"() ({
      %run_scoped3A_193 = tpu.sem_alloc : memref<!tpu.dma_semaphore, #tpu.memory_space<semaphore_mem>>
      %dma_start3A_194 = tpu.memref_slice %arg3[%mul3A_2] : memref<2048xi32, #tpu.memory_space<hbm>> -> memref<64xi32, #tpu.memory_space<hbm>>
      %dma_start3A_195 = tpu.memref_slice %arg3[%mul3A_2] : memref<2048xi32, #tpu.memory_space<hbm>> -> memref<64xi32, #tpu.memory_space<hbm>>
      tpu.enqueue_dma source(%dma_start3A_195 : memref<64xi32, #tpu.memory_space<hbm>>) target(%arg10 : memref<64xi32, #tpu.memory_space<vmem>>) target_semaphore(%run_scoped3A_193 : memref<!tpu.dma_semaphore, #tpu.memory_space<semaphore_mem>>)
      %dma_wait3A_196 = tpu.memref_slice %arg3[%mul3A_2] : memref<2048xi32, #tpu.memory_space<hbm>> -> memref<64xi32, #tpu.memory_space<hbm>>
      %dma_wait3A_197 = tpu.memref_slice %arg3[%mul3A_2] : memref<2048xi32, #tpu.memory_space<hbm>> -> memref<64xi32, #tpu.memory_space<hbm>>
      tpu.wait_dma2 semaphore(%run_scoped3A_193 : memref<!tpu.dma_semaphore, #tpu.memory_space<semaphore_mem>>) src(%dma_wait3A_197 : memref<64xi32, #tpu.memory_space<hbm>>) dst(%arg10 : memref<64xi32, #tpu.memory_space<vmem>>)
      tpu.yield
    }) : () -> ()
    "tpu.region"() ({
      %run_scoped3A_193 = tpu.sem_alloc : memref<!tpu.dma_semaphore, #tpu.memory_space<semaphore_mem>>
      %dma_start3A_194 = tpu.memref_slice %arg4[%mul3A_2] : memref<2048xi32, #tpu.memory_space<hbm>> -> memref<64xi32, #tpu.memory_space<hbm>>
      %dma_start3A_195 = tpu.memref_slice %arg4[%mul3A_2] : memref<2048xi32, #tpu.memory_space<hbm>> -> memref<64xi32, #tpu.memory_space<hbm>>
      tpu.enqueue_dma source(%dma_start3A_195 : memref<64xi32, #tpu.memory_space<hbm>>) target(%arg11 : memref<64xi32, #tpu.memory_space<vmem>>) target_semaphore(%run_scoped3A_193 : memref<!tpu.dma_semaphore, #tpu.memory_space<semaphore_mem>>)
      %dma_wait3A_196 = tpu.memref_slice %arg4[%mul3A_2] : memref<2048xi32, #tpu.memory_space<hbm>> -> memref<64xi32, #tpu.memory_space<hbm>>
      %dma_wait3A_197 = tpu.memref_slice %arg4[%mul3A_2] : memref<2048xi32, #tpu.memory_space<hbm>> -> memref<64xi32, #tpu.memory_space<hbm>>
      tpu.wait_dma2 semaphore(%run_scoped3A_193 : memref<!tpu.dma_semaphore, #tpu.memory_space<semaphore_mem>>) src(%dma_wait3A_197 : memref<64xi32, #tpu.memory_space<hbm>>) dst(%arg11 : memref<64xi32, #tpu.memory_space<vmem>>)
      tpu.yield
    }) : () -> ()
    %get3A = arith.constant 0 : index
    %get3A_6 = tpu.vector_load %arg9[%get3A] {strides = array<i32>} : memref<16xi32, #tpu.memory_space<vmem>>, vector<16xi32>,
    %get3A_7 = vector.shape_cast %get3A_6 : vector<16xi32> to vector<16xi32>
    %get3A_8 = arith.constant 0 : index
    %get3A_9 = tpu.vector_load %arg10[%get3A_8] {strides = array<i32>} : memref<64xi32, #tpu.memory_space<vmem>>, vector<16xi32>,
    %get3A_10 = vector.shape_cast %get3A_9 : vector<16xi32> to vector<16xi32>
    %get3A_11 = arith.constant 0 : index
    %get3A_12 = tpu.vector_load %arg11[%get3A_11] {strides = array<i32>} : memref<64xi32, #tpu.memory_space<vmem>>, vector<16xi32>,
    %get3A_13 = vector.shape_cast %get3A_12 : vector<16xi32> to vector<16xi32>
    %shift_right_logical3A = arith.constant 12 : i32
    %shift_right_logical3A_14 = vector.broadcast %shift_right_logical3A : i32 to vector<16xi32>
    %shift_right_logical3A_15 = arith.shrui %get3A_10, %shift_right_logical3A_14 : vector<16xi32>
    %broadcast_in_dim3A = vector.shape_cast %shift_right_logical3A_15 : vector<16xi32> to vector<16x1xi32>
    %gather3A = vector.shape_cast %broadcast_in_dim3A : vector<16x1xi32> to vector<16xi32>
    %gather3A_16 = tpu.dynamic_gather %get3A_7[%gather3A] in [0] : vector<16xi32>, vector<16xi32> -> vector<16xi32>
    %and3A = arith.constant 4095 : i32
    %and3A_17 = vector.broadcast %and3A : i32 to vector<16xi32>
    %and3A_18 = arith.andi %get3A_10, %and3A_17 : vector<16xi32>
    %add3A_19 = arith.addi %gather3A_16, %and3A_18 : vector<16xi32>
    %swap3A = arith.constant 0 : index
    %swap3A_20 = tpu.vector_load %arg12[%swap3A] {strides = array<i32>} : memref<32xi32, #tpu.memory_space<vmem>>, vector<16xi32>,
    %swap3A_21 = vector.shape_cast %swap3A_20 : vector<16xi32> to vector<16xi32>
    %swap3A_22 = vector.shape_cast %add3A_19 : vector<16xi32> to vector<16xi32>
    tpu.vector_store %arg12[%swap3A], %swap3A_22 {strides = array<i32>} : memref<32xi32, #tpu.memory_space<vmem>>, vector<16xi32>,
    %shift_right_logical3A_23 = arith.constant 12 : i32
    %shift_right_logical3A_24 = vector.broadcast %shift_right_logical3A_23 : i32 to vector<16xi32>
    %shift_right_logical3A_25 = arith.shrui %get3A_13, %shift_right_logical3A_24 : vector<16xi32>
    %broadcast_in_dim3A_26 = vector.shape_cast %shift_right_logical3A_25 : vector<16xi32> to vector<16x1xi32>
    %gather3A_27 = vector.shape_cast %broadcast_in_dim3A_26 : vector<16x1xi32> to vector<16xi32>
    %gather3A_28 = tpu.dynamic_gather %get3A_7[%gather3A_27] in [0] : vector<16xi32>, vector<16xi32> -> vector<16xi32>
    %and3A_29 = arith.constant 4095 : i32
    %and3A_30 = vector.broadcast %and3A_29 : i32 to vector<16xi32>
    %and3A_31 = arith.andi %get3A_13, %and3A_30 : vector<16xi32>
    %add3A_32 = arith.addi %gather3A_28, %and3A_31 : vector<16xi32>
    %swap3A_33 = arith.constant 0 : index
    %swap3A_34 = tpu.vector_load %arg14[%swap3A_33] {strides = array<i32>} : memref<32xi32, #tpu.memory_space<vmem>>, vector<16xi32>,
    %swap3A_35 = vector.shape_cast %swap3A_34 : vector<16xi32> to vector<16xi32>
    %swap3A_36 = vector.shape_cast %add3A_32 : vector<16xi32> to vector<16xi32>
    tpu.vector_store %arg14[%swap3A_33], %swap3A_36 {strides = array<i32>} : memref<32xi32, #tpu.memory_space<vmem>>, vector<16xi32>,
    %get3A_37 = arith.constant 16 : index
    %get3A_38 = tpu.vector_load %arg10[%get3A_37] {strides = array<i32>} : memref<64xi32, #tpu.memory_space<vmem>>, vector<16xi32>,
    %get3A_39 = vector.shape_cast %get3A_38 : vector<16xi32> to vector<16xi32>
    %get3A_40 = arith.constant 16 : index
    %get3A_41 = tpu.vector_load %arg11[%get3A_40] {strides = array<i32>} : memref<64xi32, #tpu.memory_space<vmem>>, vector<16xi32>,
    %get3A_42 = vector.shape_cast %get3A_41 : vector<16xi32> to vector<16xi32>
    %shift_right_logical3A_43 = arith.constant 12 : i32
    %shift_right_logical3A_44 = vector.broadcast %shift_right_logical3A_43 : i32 to vector<16xi32>
    %shift_right_logical3A_45 = arith.shrui %get3A_39, %shift_right_logical3A_44 : vector<16xi32>
    %broadcast_in_dim3A_46 = vector.shape_cast %shift_right_logical3A_45 : vector<16xi32> to vector<16x1xi32>
    %gather3A_47 = vector.shape_cast %broadcast_in_dim3A_46 : vector<16x1xi32> to vector<16xi32>
    %gather3A_48 = tpu.dynamic_gather %get3A_7[%gather3A_47] in [0] : vector<16xi32>, vector<16xi32> -> vector<16xi32>
    %and3A_49 = arith.constant 4095 : i32
    %and3A_50 = vector.broadcast %and3A_49 : i32 to vector<16xi32>
    %and3A_51 = arith.andi %get3A_39, %and3A_50 : vector<16xi32>
    %add3A_52 = arith.addi %gather3A_48, %and3A_51 : vector<16xi32>
    %swap3A_53 = arith.constant 16 : index
    %swap3A_54 = tpu.vector_load %arg12[%swap3A_53] {strides = array<i32>} : memref<32xi32, #tpu.memory_space<vmem>>, vector<16xi32>,
    %swap3A_55 = vector.shape_cast %swap3A_54 : vector<16xi32> to vector<16xi32>
    %swap3A_56 = vector.shape_cast %add3A_52 : vector<16xi32> to vector<16xi32>
    tpu.vector_store %arg12[%swap3A_53], %swap3A_56 {strides = array<i32>} : memref<32xi32, #tpu.memory_space<vmem>>, vector<16xi32>,
    %shift_right_logical3A_57 = arith.constant 12 : i32
    %shift_right_logical3A_58 = vector.broadcast %shift_right_logical3A_57 : i32 to vector<16xi32>
    %shift_right_logical3A_59 = arith.shrui %get3A_42, %shift_right_logical3A_58 : vector<16xi32>
    %broadcast_in_dim3A_60 = vector.shape_cast %shift_right_logical3A_59 : vector<16xi32> to vector<16x1xi32>
    %gather3A_61 = vector.shape_cast %broadcast_in_dim3A_60 : vector<16x1xi32> to vector<16xi32>
    %gather3A_62 = tpu.dynamic_gather %get3A_7[%gather3A_61] in [0] : vector<16xi32>, vector<16xi32> -> vector<16xi32>
    %and3A_63 = arith.constant 4095 : i32
    %and3A_64 = vector.broadcast %and3A_63 : i32 to vector<16xi32>
    %and3A_65 = arith.andi %get3A_42, %and3A_64 : vector<16xi32>
    %add3A_66 = arith.addi %gather3A_62, %and3A_65 : vector<16xi32>
    %swap3A_67 = arith.constant 16 : index
    %swap3A_68 = tpu.vector_load %arg14[%swap3A_67] {strides = array<i32>} : memref<32xi32, #tpu.memory_space<vmem>>, vector<16xi32>,
    %swap3A_69 = vector.shape_cast %swap3A_68 : vector<16xi32> to vector<16xi32>
    %swap3A_70 = vector.shape_cast %add3A_66 : vector<16xi32> to vector<16xi32>
    tpu.vector_store %arg14[%swap3A_67], %swap3A_70 {strides = array<i32>} : memref<32xi32, #tpu.memory_space<vmem>>, vector<16xi32>,
    %get3A_71 = arith.constant 32 : index
    %get3A_72 = tpu.vector_load %arg10[%get3A_71] {strides = array<i32>} : memref<64xi32, #tpu.memory_space<vmem>>, vector<16xi32>,
    %get3A_73 = vector.shape_cast %get3A_72 : vector<16xi32> to vector<16xi32>
    %get3A_74 = arith.constant 32 : index
    %get3A_75 = tpu.vector_load %arg11[%get3A_74] {strides = array<i32>} : memref<64xi32, #tpu.memory_space<vmem>>, vector<16xi32>,
    %get3A_76 = vector.shape_cast %get3A_75 : vector<16xi32> to vector<16xi32>
    %shift_right_logical3A_77 = arith.constant 12 : i32
    %shift_right_logical3A_78 = vector.broadcast %shift_right_logical3A_77 : i32 to vector<16xi32>
    %shift_right_logical3A_79 = arith.shrui %get3A_73, %shift_right_logical3A_78 : vector<16xi32>
    %broadcast_in_dim3A_80 = vector.shape_cast %shift_right_logical3A_79 : vector<16xi32> to vector<16x1xi32>
    %gather3A_81 = vector.shape_cast %broadcast_in_dim3A_80 : vector<16x1xi32> to vector<16xi32>
    %gather3A_82 = tpu.dynamic_gather %get3A_7[%gather3A_81] in [0] : vector<16xi32>, vector<16xi32> -> vector<16xi32>
    %and3A_83 = arith.constant 4095 : i32
    %and3A_84 = vector.broadcast %and3A_83 : i32 to vector<16xi32>
    %and3A_85 = arith.andi %get3A_73, %and3A_84 : vector<16xi32>
    %add3A_86 = arith.addi %gather3A_82, %and3A_85 : vector<16xi32>
    %swap3A_87 = arith.constant 0 : index
    %swap3A_88 = tpu.vector_load %arg13[%swap3A_87] {strides = array<i32>} : memref<32xi32, #tpu.memory_space<vmem>>, vector<16xi32>,
    %swap3A_89 = vector.shape_cast %swap3A_88 : vector<16xi32> to vector<16xi32>
    %swap3A_90 = vector.shape_cast %add3A_86 : vector<16xi32> to vector<16xi32>
    tpu.vector_store %arg13[%swap3A_87], %swap3A_90 {strides = array<i32>} : memref<32xi32, #tpu.memory_space<vmem>>, vector<16xi32>,
    %shift_right_logical3A_91 = arith.constant 12 : i32
    %shift_right_logical3A_92 = vector.broadcast %shift_right_logical3A_91 : i32 to vector<16xi32>
    %shift_right_logical3A_93 = arith.shrui %get3A_76, %shift_right_logical3A_92 : vector<16xi32>
    %broadcast_in_dim3A_94 = vector.shape_cast %shift_right_logical3A_93 : vector<16xi32> to vector<16x1xi32>
    %gather3A_95 = vector.shape_cast %broadcast_in_dim3A_94 : vector<16x1xi32> to vector<16xi32>
    %gather3A_96 = tpu.dynamic_gather %get3A_7[%gather3A_95] in [0] : vector<16xi32>, vector<16xi32> -> vector<16xi32>
    %and3A_97 = arith.constant 4095 : i32
    %and3A_98 = vector.broadcast %and3A_97 : i32 to vector<16xi32>
    %and3A_99 = arith.andi %get3A_76, %and3A_98 : vector<16xi32>
    %add3A_100 = arith.addi %gather3A_96, %and3A_99 : vector<16xi32>
    %swap3A_101 = arith.constant 0 : index
    %swap3A_102 = tpu.vector_load %arg15[%swap3A_101] {strides = array<i32>} : memref<32xi32, #tpu.memory_space<vmem>>, vector<16xi32>,
    %swap3A_103 = vector.shape_cast %swap3A_102 : vector<16xi32> to vector<16xi32>
    %swap3A_104 = vector.shape_cast %add3A_100 : vector<16xi32> to vector<16xi32>
    tpu.vector_store %arg15[%swap3A_101], %swap3A_104 {strides = array<i32>} : memref<32xi32, #tpu.memory_space<vmem>>, vector<16xi32>,
    %get3A_105 = arith.constant 48 : index
    %get3A_106 = tpu.vector_load %arg10[%get3A_105] {strides = array<i32>} : memref<64xi32, #tpu.memory_space<vmem>>, vector<16xi32>,
    %get3A_107 = vector.shape_cast %get3A_106 : vector<16xi32> to vector<16xi32>
    %get3A_108 = arith.constant 48 : index
    %get3A_109 = tpu.vector_load %arg11[%get3A_108] {strides = array<i32>} : memref<64xi32, #tpu.memory_space<vmem>>, vector<16xi32>,
    %get3A_110 = vector.shape_cast %get3A_109 : vector<16xi32> to vector<16xi32>
    %shift_right_logical3A_111 = arith.constant 12 : i32
    %shift_right_logical3A_112 = vector.broadcast %shift_right_logical3A_111 : i32 to vector<16xi32>
    %shift_right_logical3A_113 = arith.shrui %get3A_107, %shift_right_logical3A_112 : vector<16xi32>
    %broadcast_in_dim3A_114 = vector.shape_cast %shift_right_logical3A_113 : vector<16xi32> to vector<16x1xi32>
    %gather3A_115 = vector.shape_cast %broadcast_in_dim3A_114 : vector<16x1xi32> to vector<16xi32>
    %gather3A_116 = tpu.dynamic_gather %get3A_7[%gather3A_115] in [0] : vector<16xi32>, vector<16xi32> -> vector<16xi32>
    %and3A_117 = arith.constant 4095 : i32
    %and3A_118 = vector.broadcast %and3A_117 : i32 to vector<16xi32>
    %and3A_119 = arith.andi %get3A_107, %and3A_118 : vector<16xi32>
    %add3A_120 = arith.addi %gather3A_116, %and3A_119 : vector<16xi32>
    %swap3A_121 = arith.constant 16 : index
    %swap3A_122 = tpu.vector_load %arg13[%swap3A_121] {strides = array<i32>} : memref<32xi32, #tpu.memory_space<vmem>>, vector<16xi32>,
    %swap3A_123 = vector.shape_cast %swap3A_122 : vector<16xi32> to vector<16xi32>
    %swap3A_124 = vector.shape_cast %add3A_120 : vector<16xi32> to vector<16xi32>
    tpu.vector_store %arg13[%swap3A_121], %swap3A_124 {strides = array<i32>} : memref<32xi32, #tpu.memory_space<vmem>>, vector<16xi32>,
    %shift_right_logical3A_125 = arith.constant 12 : i32
    %shift_right_logical3A_126 = vector.broadcast %shift_right_logical3A_125 : i32 to vector<16xi32>
    %shift_right_logical3A_127 = arith.shrui %get3A_110, %shift_right_logical3A_126 : vector<16xi32>
    %broadcast_in_dim3A_128 = vector.shape_cast %shift_right_logical3A_127 : vector<16xi32> to vector<16x1xi32>
    %gather3A_129 = vector.shape_cast %broadcast_in_dim3A_128 : vector<16x1xi32> to vector<16xi32>
    %gather3A_130 = tpu.dynamic_gather %get3A_7[%gather3A_129] in [0] : vector<16xi32>, vector<16xi32> -> vector<16xi32>
    %and3A_131 = arith.constant 4095 : i32
    %and3A_132 = vector.broadcast %and3A_131 : i32 to vector<16xi32>
    %and3A_133 = arith.andi %get3A_110, %and3A_132 : vector<16xi32>
    %add3A_134 = arith.addi %gather3A_130, %and3A_133 : vector<16xi32>
    %swap3A_135 = arith.constant 16 : index
    %swap3A_136 = tpu.vector_load %arg15[%swap3A_135] {strides = array<i32>} : memref<32xi32, #tpu.memory_space<vmem>>, vector<16xi32>,
    %swap3A_137 = vector.shape_cast %swap3A_136 : vector<16xi32> to vector<16xi32>
    %swap3A_138 = vector.shape_cast %add3A_134 : vector<16xi32> to vector<16xi32>
    tpu.vector_store %arg15[%swap3A_135], %swap3A_138 {strides = array<i32>} : memref<32xi32, #tpu.memory_space<vmem>>, vector<16xi32>,
    %run_scoped3A = arith.constant 0 : i32
    "tpu.region"() ({
      %run_scoped3A_193 = tpu.sem_alloc : memref<!tpu.dma_semaphore, #tpu.memory_space<semaphore_mem>>
      %dma_start3A_194 = arith.constant 0 : i32
      %dma_start3A_195 = tpu.memref_slice %arg7[%add3A, %run_scoped3A, %dma_start3A_194] : memref<32x2x32xi32, #tpu.memory_space<hbm>> -> memref<1x1x32xi32, #tpu.memory_space<hbm>>
      %dma_start3A_196 = tpu.memref_squeeze %dma_start3A_195 : memref<1x1x32xi32, #tpu.memory_space<hbm>> -> memref<32xi32, #tpu.memory_space<hbm>>
      %dma_start3A_197 = arith.constant 0 : i32
      %dma_start3A_198 = tpu.memref_slice %arg7[%add3A, %run_scoped3A, %dma_start3A_197] : memref<32x2x32xi32, #tpu.memory_space<hbm>> -> memref<1x1x32xi32, #tpu.memory_space<hbm>>
      %dma_start3A_199 = tpu.memref_squeeze %dma_start3A_198 : memref<1x1x32xi32, #tpu.memory_space<hbm>> -> memref<32xi32, #tpu.memory_space<hbm>>
      tpu.enqueue_dma source(%arg12 : memref<32xi32, #tpu.memory_space<vmem>>) target(%dma_start3A_199 : memref<32xi32, #tpu.memory_space<hbm>>) target_semaphore(%run_scoped3A_193 : memref<!tpu.dma_semaphore, #tpu.memory_space<semaphore_mem>>)
      %dma_wait3A_200 = arith.constant 0 : i32
      %dma_wait3A_201 = tpu.memref_slice %arg7[%add3A, %run_scoped3A, %dma_wait3A_200] : memref<32x2x32xi32, #tpu.memory_space<hbm>> -> memref<1x1x32xi32, #tpu.memory_space<hbm>>
      %dma_wait3A_202 = tpu.memref_squeeze %dma_wait3A_201 : memref<1x1x32xi32, #tpu.memory_space<hbm>> -> memref<32xi32, #tpu.memory_space<hbm>>
      %dma_wait3A_203 = arith.constant 0 : i32
      %dma_wait3A_204 = tpu.memref_slice %arg7[%add3A, %run_scoped3A, %dma_wait3A_203] : memref<32x2x32xi32, #tpu.memory_space<hbm>> -> memref<1x1x32xi32, #tpu.memory_space<hbm>>
      %dma_wait3A_205 = tpu.memref_squeeze %dma_wait3A_204 : memref<1x1x32xi32, #tpu.memory_space<hbm>> -> memref<32xi32, #tpu.memory_space<hbm>>
      tpu.wait_dma2 semaphore(%run_scoped3A_193 : memref<!tpu.dma_semaphore, #tpu.memory_space<semaphore_mem>>) src(%arg12 : memref<32xi32, #tpu.memory_space<vmem>>) dst(%dma_wait3A_205 : memref<32xi32, #tpu.memory_space<hbm>>)
      tpu.yield
    }) : () -> ()
    %run_scoped3A_139 = arith.constant 1 : i32
    "tpu.region"() ({
      %run_scoped3A_193 = tpu.sem_alloc : memref<!tpu.dma_semaphore, #tpu.memory_space<semaphore_mem>>
      %dma_start3A_194 = arith.constant 0 : i32
      %dma_start3A_195 = tpu.memref_slice %arg7[%add3A, %run_scoped3A_139, %dma_start3A_194] : memref<32x2x32xi32, #tpu.memory_space<hbm>> -> memref<1x1x32xi32, #tpu.memory_space<hbm>>
      %dma_start3A_196 = tpu.memref_squeeze %dma_start3A_195 : memref<1x1x32xi32, #tpu.memory_space<hbm>> -> memref<32xi32, #tpu.memory_space<hbm>>
      %dma_start3A_197 = arith.constant 0 : i32
      %dma_start3A_198 = tpu.memref_slice %arg7[%add3A, %run_scoped3A_139, %dma_start3A_197] : memref<32x2x32xi32, #tpu.memory_space<hbm>> -> memref<1x1x32xi32, #tpu.memory_space<hbm>>
      %dma_start3A_199 = tpu.memref_squeeze %dma_start3A_198 : memref<1x1x32xi32, #tpu.memory_space<hbm>> -> memref<32xi32, #tpu.memory_space<hbm>>
      tpu.enqueue_dma source(%arg13 : memref<32xi32, #tpu.memory_space<vmem>>) target(%dma_start3A_199 : memref<32xi32, #tpu.memory_space<hbm>>) target_semaphore(%run_scoped3A_193 : memref<!tpu.dma_semaphore, #tpu.memory_space<semaphore_mem>>)
      %dma_wait3A_200 = arith.constant 0 : i32
      %dma_wait3A_201 = tpu.memref_slice %arg7[%add3A, %run_scoped3A_139, %dma_wait3A_200] : memref<32x2x32xi32, #tpu.memory_space<hbm>> -> memref<1x1x32xi32, #tpu.memory_space<hbm>>
      %dma_wait3A_202 = tpu.memref_squeeze %dma_wait3A_201 : memref<1x1x32xi32, #tpu.memory_space<hbm>> -> memref<32xi32, #tpu.memory_space<hbm>>
      %dma_wait3A_203 = arith.constant 0 : i32
      %dma_wait3A_204 = tpu.memref_slice %arg7[%add3A, %run_scoped3A_139, %dma_wait3A_203] : memref<32x2x32xi32, #tpu.memory_space<hbm>> -> memref<1x1x32xi32, #tpu.memory_space<hbm>>
      %dma_wait3A_205 = tpu.memref_squeeze %dma_wait3A_204 : memref<1x1x32xi32, #tpu.memory_space<hbm>> -> memref<32xi32, #tpu.memory_space<hbm>>
      tpu.wait_dma2 semaphore(%run_scoped3A_193 : memref<!tpu.dma_semaphore, #tpu.memory_space<semaphore_mem>>) src(%arg13 : memref<32xi32, #tpu.memory_space<vmem>>) dst(%dma_wait3A_205 : memref<32xi32, #tpu.memory_space<hbm>>)
      tpu.yield
    }) : () -> ()
    %run_scoped3A_140 = arith.constant 0 : i32
    "tpu.region"() ({
      %run_scoped3A_193 = tpu.sem_alloc : memref<!tpu.dma_semaphore, #tpu.memory_space<semaphore_mem>>
      %dma_start3A_194 = arith.constant 0 : i32
      %dma_start3A_195 = tpu.memref_slice %arg8[%add3A, %run_scoped3A_140, %dma_start3A_194] : memref<32x2x32xi32, #tpu.memory_space<hbm>> -> memref<1x1x32xi32, #tpu.memory_space<hbm>>
      %dma_start3A_196 = tpu.memref_squeeze %dma_start3A_195 : memref<1x1x32xi32, #tpu.memory_space<hbm>> -> memref<32xi32, #tpu.memory_space<hbm>>
      %dma_start3A_197 = arith.constant 0 : i32
      %dma_start3A_198 = tpu.memref_slice %arg8[%add3A, %run_scoped3A_140, %dma_start3A_197] : memref<32x2x32xi32, #tpu.memory_space<hbm>> -> memref<1x1x32xi32, #tpu.memory_space<hbm>>
      %dma_start3A_199 = tpu.memref_squeeze %dma_start3A_198 : memref<1x1x32xi32, #tpu.memory_space<hbm>> -> memref<32xi32, #tpu.memory_space<hbm>>
      tpu.enqueue_dma source(%arg14 : memref<32xi32, #tpu.memory_space<vmem>>) target(%dma_start3A_199 : memref<32xi32, #tpu.memory_space<hbm>>) target_semaphore(%run_scoped3A_193 : memref<!tpu.dma_semaphore, #tpu.memory_space<semaphore_mem>>)
      %dma_wait3A_200 = arith.constant 0 : i32
      %dma_wait3A_201 = tpu.memref_slice %arg8[%add3A, %run_scoped3A_140, %dma_wait3A_200] : memref<32x2x32xi32, #tpu.memory_space<hbm>> -> memref<1x1x32xi32, #tpu.memory_space<hbm>>
      %dma_wait3A_202 = tpu.memref_squeeze %dma_wait3A_201 : memref<1x1x32xi32, #tpu.memory_space<hbm>> -> memref<32xi32, #tpu.memory_space<hbm>>
      %dma_wait3A_203 = arith.constant 0 : i32
      %dma_wait3A_204 = tpu.memref_slice %arg8[%add3A, %run_scoped3A_140, %dma_wait3A_203] : memref<32x2x32xi32, #tpu.memory_space<hbm>> -> memref<1x1x32xi32, #tpu.memory_space<hbm>>
      %dma_wait3A_205 = tpu.memref_squeeze %dma_wait3A_204 : memref<1x1x32xi32, #tpu.memory_space<hbm>> -> memref<32xi32, #tpu.memory_space<hbm>>
      tpu.wait_dma2 semaphore(%run_scoped3A_193 : memref<!tpu.dma_semaphore, #tpu.memory_space<semaphore_mem>>) src(%arg14 : memref<32xi32, #tpu.memory_space<vmem>>) dst(%dma_wait3A_205 : memref<32xi32, #tpu.memory_space<hbm>>)
      tpu.yield
    }) : () -> ()
    %run_scoped3A_141 = arith.constant 1 : i32
    "tpu.region"() ({
      %run_scoped3A_193 = tpu.sem_alloc : memref<!tpu.dma_semaphore, #tpu.memory_space<semaphore_mem>>
      %dma_start3A_194 = arith.constant 0 : i32
      %dma_start3A_195 = tpu.memref_slice %arg8[%add3A, %run_scoped3A_141, %dma_start3A_194] : memref<32x2x32xi32, #tpu.memory_space<hbm>> -> memref<1x1x32xi32, #tpu.memory_space<hbm>>
      %dma_start3A_196 = tpu.memref_squeeze %dma_start3A_195 : memref<1x1x32xi32, #tpu.memory_space<hbm>> -> memref<32xi32, #tpu.memory_space<hbm>>
      %dma_start3A_197 = arith.constant 0 : i32
      %dma_start3A_198 = tpu.memref_slice %arg8[%add3A, %run_scoped3A_141, %dma_start3A_197] : memref<32x2x32xi32, #tpu.memory_space<hbm>> -> memref<1x1x32xi32, #tpu.memory_space<hbm>>
      %dma_start3A_199 = tpu.memref_squeeze %dma_start3A_198 : memref<1x1x32xi32, #tpu.memory_space<hbm>> -> memref<32xi32, #tpu.memory_space<hbm>>
      tpu.enqueue_dma source(%arg15 : memref<32xi32, #tpu.memory_space<vmem>>) target(%dma_start3A_199 : memref<32xi32, #tpu.memory_space<hbm>>) target_semaphore(%run_scoped3A_193 : memref<!tpu.dma_semaphore, #tpu.memory_space<semaphore_mem>>)
      %dma_wait3A_200 = arith.constant 0 : i32
      %dma_wait3A_201 = tpu.memref_slice %arg8[%add3A, %run_scoped3A_141, %dma_wait3A_200] : memref<32x2x32xi32, #tpu.memory_space<hbm>> -> memref<1x1x32xi32, #tpu.memory_space<hbm>>
      %dma_wait3A_202 = tpu.memref_squeeze %dma_wait3A_201 : memref<1x1x32xi32, #tpu.memory_space<hbm>> -> memref<32xi32, #tpu.memory_space<hbm>>
      %dma_wait3A_203 = arith.constant 0 : i32
      %dma_wait3A_204 = tpu.memref_slice %arg8[%add3A, %run_scoped3A_141, %dma_wait3A_203] : memref<32x2x32xi32, #tpu.memory_space<hbm>> -> memref<1x1x32xi32, #tpu.memory_space<hbm>>
      %dma_wait3A_205 = tpu.memref_squeeze %dma_wait3A_204 : memref<1x1x32xi32, #tpu.memory_space<hbm>> -> memref<32xi32, #tpu.memory_space<hbm>>
      tpu.wait_dma2 semaphore(%run_scoped3A_193 : memref<!tpu.dma_semaphore, #tpu.memory_space<semaphore_mem>>) src(%arg15 : memref<32xi32, #tpu.memory_space<vmem>>) dst(%dma_wait3A_205 : memref<32xi32, #tpu.memory_space<hbm>>)
      tpu.yield
    }) : () -> ()
    %dma_wait3A = arith.constant 0 : i32
    %dma_wait3A_142 = tpu.memref_slice %arg2[%mul3A_2, %dma_wait3A] : memref<2048x1024xf32, #tpu.memory_space<hbm>> -> memref<64x1024xf32, #tpu.memory_space<hbm>>
    %dma_wait3A_143 = arith.constant 0 : i32
    %dma_wait3A_144 = tpu.memref_slice %arg2[%mul3A_2, %dma_wait3A_143] : memref<2048x1024xf32, #tpu.memory_space<hbm>> -> memref<64x1024xf32, #tpu.memory_space<hbm>>
    tpu.wait_dma2 semaphore(%arg17 : memref<!tpu.dma_semaphore, #tpu.memory_space<semaphore_mem>>) src(%dma_wait3A_144 : memref<64x1024xf32, #tpu.memory_space<hbm>>) dst(%arg16 : memref<64x1024xf32, #tpu.memory_space<vmem>>)
    %dma_start3A_145 = arith.constant 0 : i32
    %dma_start3A_146 = arith.constant 0 : i32
    %dma_start3A_147 = tpu.memref_slice %arg16[%dma_start3A_145, %dma_start3A_146] : memref<64x1024xf32, #tpu.memory_space<vmem>> -> memref<32x1024xf32, #tpu.memory_space<vmem>>
    %dma_start3A_148 = arith.constant 0 : i32
    %dma_start3A_149 = arith.constant 0 : i32
    %dma_start3A_150 = tpu.memref_slice %arg6[%dma_start3A_148, %dma_start3A_149] : memref<6144x1024xf32, #tpu.memory_space<hbm>> -> memref<6144x1024xf32, #tpu.memory_space<hbm>>
    tpu.enqueue_indirect_dma source(%dma_start3A_147 : memref<32x1024xf32, #tpu.memory_space<vmem>>) target(%dma_start3A_150 : memref<6144x1024xf32, #tpu.memory_space<hbm>>) offsets(%arg12 : memref<32xi32, #tpu.memory_space<vmem>>) semaphore(%arg18 : memref<!tpu.dma_semaphore, #tpu.memory_space<semaphore_mem>>)
    %dma_start3A_151 = arith.constant 32 : i32
    %dma_start3A_152 = arith.constant 0 : i32
    %dma_start3A_153 = tpu.memref_slice %arg16[%dma_start3A_151, %dma_start3A_152] : memref<64x1024xf32, #tpu.memory_space<vmem>> -> memref<32x1024xf32, #tpu.memory_space<vmem>>
    %dma_start3A_154 = arith.constant 0 : i32
    %dma_start3A_155 = arith.constant 0 : i32
    %dma_start3A_156 = tpu.memref_slice %arg6[%dma_start3A_154, %dma_start3A_155] : memref<6144x1024xf32, #tpu.memory_space<hbm>> -> memref<6144x1024xf32, #tpu.memory_space<hbm>>
    tpu.enqueue_indirect_dma source(%dma_start3A_153 : memref<32x1024xf32, #tpu.memory_space<vmem>>) target(%dma_start3A_156 : memref<6144x1024xf32, #tpu.memory_space<hbm>>) offsets(%arg13 : memref<32xi32, #tpu.memory_space<vmem>>) semaphore(%arg19 : memref<!tpu.dma_semaphore, #tpu.memory_space<semaphore_mem>>)
    %dma_start3A_157 = arith.constant 0 : i32
    %dma_start3A_158 = arith.constant 0 : i32
    %dma_start3A_159 = tpu.memref_slice %arg16[%dma_start3A_157, %dma_start3A_158] : memref<64x1024xf32, #tpu.memory_space<vmem>> -> memref<32x1024xf32, #tpu.memory_space<vmem>>
    %dma_start3A_160 = arith.constant 0 : i32
    %dma_start3A_161 = arith.constant 0 : i32
    %dma_start3A_162 = tpu.memref_slice %arg6[%dma_start3A_160, %dma_start3A_161] : memref<6144x1024xf32, #tpu.memory_space<hbm>> -> memref<6144x1024xf32, #tpu.memory_space<hbm>>
    tpu.enqueue_indirect_dma source(%dma_start3A_159 : memref<32x1024xf32, #tpu.memory_space<vmem>>) target(%dma_start3A_162 : memref<6144x1024xf32, #tpu.memory_space<hbm>>) offsets(%arg14 : memref<32xi32, #tpu.memory_space<vmem>>) semaphore(%arg18 : memref<!tpu.dma_semaphore, #tpu.memory_space<semaphore_mem>>)
    %dma_start3A_163 = arith.constant 32 : i32
    %dma_start3A_164 = arith.constant 0 : i32
    %dma_start3A_165 = tpu.memref_slice %arg16[%dma_start3A_163, %dma_start3A_164] : memref<64x1024xf32, #tpu.memory_space<vmem>> -> memref<32x1024xf32, #tpu.memory_space<vmem>>
    %dma_start3A_166 = arith.constant 0 : i32
    %dma_start3A_167 = arith.constant 0 : i32
    %dma_start3A_168 = tpu.memref_slice %arg6[%dma_start3A_166, %dma_start3A_167] : memref<6144x1024xf32, #tpu.memory_space<hbm>> -> memref<6144x1024xf32, #tpu.memory_space<hbm>>
    tpu.enqueue_indirect_dma source(%dma_start3A_165 : memref<32x1024xf32, #tpu.memory_space<vmem>>) target(%dma_start3A_168 : memref<6144x1024xf32, #tpu.memory_space<hbm>>) offsets(%arg15 : memref<32xi32, #tpu.memory_space<vmem>>) semaphore(%arg19 : memref<!tpu.dma_semaphore, #tpu.memory_space<semaphore_mem>>)
    %dma_wait3A_169 = arith.constant 0 : i32
    %dma_wait3A_170 = arith.constant 0 : i32
    %dma_wait3A_171 = tpu.memref_slice %arg16[%dma_wait3A_169, %dma_wait3A_170] : memref<64x1024xf32, #tpu.memory_space<vmem>> -> memref<32x1024xf32, #tpu.memory_space<vmem>>
    %dma_wait3A_172 = arith.constant 0 : i32
    %dma_wait3A_173 = arith.constant 0 : i32
    %dma_wait3A_174 = tpu.memref_slice %arg6[%dma_wait3A_172, %dma_wait3A_173] : memref<6144x1024xf32, #tpu.memory_space<hbm>> -> memref<6144x1024xf32, #tpu.memory_space<hbm>>
    tpu.wait_indirect_dma semaphore(%arg18 : memref<!tpu.dma_semaphore, #tpu.memory_space<semaphore_mem>>) src(%dma_wait3A_171 : memref<32x1024xf32, #tpu.memory_space<vmem>>) dst(%dma_wait3A_174 : memref<6144x1024xf32, #tpu.memory_space<hbm>>)
    %dma_wait3A_175 = arith.constant 32 : i32
    %dma_wait3A_176 = arith.constant 0 : i32
    %dma_wait3A_177 = tpu.memref_slice %arg16[%dma_wait3A_175, %dma_wait3A_176] : memref<64x1024xf32, #tpu.memory_space<vmem>> -> memref<32x1024xf32, #tpu.memory_space<vmem>>
    %dma_wait3A_178 = arith.constant 0 : i32
    %dma_wait3A_179 = arith.constant 0 : i32
    %dma_wait3A_180 = tpu.memref_slice %arg6[%dma_wait3A_178, %dma_wait3A_179] : memref<6144x1024xf32, #tpu.memory_space<hbm>> -> memref<6144x1024xf32, #tpu.memory_space<hbm>>
    tpu.wait_indirect_dma semaphore(%arg19 : memref<!tpu.dma_semaphore, #tpu.memory_space<semaphore_mem>>) src(%dma_wait3A_177 : memref<32x1024xf32, #tpu.memory_space<vmem>>) dst(%dma_wait3A_180 : memref<6144x1024xf32, #tpu.memory_space<hbm>>)
    %dma_wait3A_181 = arith.constant 0 : i32
    %dma_wait3A_182 = arith.constant 0 : i32
    %dma_wait3A_183 = tpu.memref_slice %arg16[%dma_wait3A_181, %dma_wait3A_182] : memref<64x1024xf32, #tpu.memory_space<vmem>> -> memref<32x1024xf32, #tpu.memory_space<vmem>>
    %dma_wait3A_184 = arith.constant 0 : i32
    %dma_wait3A_185 = arith.constant 0 : i32
    %dma_wait3A_186 = tpu.memref_slice %arg6[%dma_wait3A_184, %dma_wait3A_185] : memref<6144x1024xf32, #tpu.memory_space<hbm>> -> memref<6144x1024xf32, #tpu.memory_space<hbm>>
    tpu.wait_indirect_dma semaphore(%arg18 : memref<!tpu.dma_semaphore, #tpu.memory_space<semaphore_mem>>) src(%dma_wait3A_183 : memref<32x1024xf32, #tpu.memory_space<vmem>>) dst(%dma_wait3A_186 : memref<6144x1024xf32, #tpu.memory_space<hbm>>)
    %dma_wait3A_187 = arith.constant 32 : i32
    %dma_wait3A_188 = arith.constant 0 : i32
    %dma_wait3A_189 = tpu.memref_slice %arg16[%dma_wait3A_187, %dma_wait3A_188] : memref<64x1024xf32, #tpu.memory_space<vmem>> -> memref<32x1024xf32, #tpu.memory_space<vmem>>
    %dma_wait3A_190 = arith.constant 0 : i32
    %dma_wait3A_191 = arith.constant 0 : i32
    %dma_wait3A_192 = tpu.memref_slice %arg6[%dma_wait3A_190, %dma_wait3A_191] : memref<6144x1024xf32, #tpu.memory_space<hbm>> -> memref<6144x1024xf32, #tpu.memory_space<hbm>>
    tpu.wait_indirect_dma semaphore(%arg19 : memref<!tpu.dma_semaphore, #tpu.memory_space<semaphore_mem>>) src(%dma_wait3A_189 : memref<32x1024xf32, #tpu.memory_space<vmem>>) dst(%dma_wait3A_192 : memref<6144x1024xf32, #tpu.memory_space<hbm>>)
    return
  }
}

#map = affine_map<(d0, d1) -> (0, 0)>
#map1 = affine_map<(d0, d1) -> (0, 0, 0)>
module attributes {stable_mosaic.version = 14 : i64} {
  func.func @_sc_gather_body(%arg0: i32, %arg1: i32, %arg2: memref<6144x1024xf32, #tpu.memory_space<hbm>>, %arg3: memref<32x2x32xi32, #tpu.memory_space<hbm>>, %arg4: memref<32x2x32xi32, #tpu.memory_space<hbm>>, %arg5: memref<2048x1024xf32, #tpu.memory_space<hbm>>, %arg6: memref<2048x1024xf32, #tpu.memory_space<hbm>>, %arg7: memref<32xi32, #tpu.memory_space<vmem>>, %arg8: memref<32xi32, #tpu.memory_space<vmem>>, %arg9: memref<32xi32, #tpu.memory_space<vmem>>, %arg10: memref<32xi32, #tpu.memory_space<vmem>>, %arg11: memref<32x1024xf32, #tpu.memory_space<vmem>>, %arg12: memref<32x1024xf32, #tpu.memory_space<vmem>>, %arg13: memref<!tpu.dma_semaphore, #tpu.memory_space<semaphore_mem>>, %arg14: memref<!tpu.dma_semaphore, #tpu.memory_space<semaphore_mem>>) attributes {dimension_semantics = [#tpu.dimension_semantics<core_parallel>, #tpu.dimension_semantics<subcore_parallel>], iteration_bounds = array<i64: 2, 16>, scalar_prefetch = 0 : i64, scratch_operands = 8 : i64, tpu.core_type = #tpu.core_type<sc_vector_subcore>, window_params = [{transform_indices = #map}, {transform_indices = #map1}, {transform_indices = #map1}, {transform_indices = #map}, {transform_indices = #map}]} {
    %mul3A = arith.constant 2 : i32
    %mul3A_0 = arith.muli %arg1, %mul3A : i32
    %add3A = arith.addi %mul3A_0, %arg0 : i32
    %mul3A_1 = arith.constant 64 : i32
    %mul3A_2 = arith.muli %add3A, %mul3A_1 : i32
    %run_scoped3A = arith.constant 0 : i32
    "tpu.region"() ({
      %run_scoped3A_32 = tpu.sem_alloc : memref<!tpu.dma_semaphore, #tpu.memory_space<semaphore_mem>>
      %dma_start3A_33 = arith.constant 0 : i32
      %dma_start3A_34 = tpu.memref_slice %arg3[%add3A, %run_scoped3A, %dma_start3A_33] : memref<32x2x32xi32, #tpu.memory_space<hbm>> -> memref<1x1x32xi32, #tpu.memory_space<hbm>>
      %dma_start3A_35 = tpu.memref_squeeze %dma_start3A_34 : memref<1x1x32xi32, #tpu.memory_space<hbm>> -> memref<32xi32, #tpu.memory_space<hbm>>
      %dma_start3A_36 = arith.constant 0 : i32
      %dma_start3A_37 = tpu.memref_slice %arg3[%add3A, %run_scoped3A, %dma_start3A_36] : memref<32x2x32xi32, #tpu.memory_space<hbm>> -> memref<1x1x32xi32, #tpu.memory_space<hbm>>
      %dma_start3A_38 = tpu.memref_squeeze %dma_start3A_37 : memref<1x1x32xi32, #tpu.memory_space<hbm>> -> memref<32xi32, #tpu.memory_space<hbm>>
      tpu.enqueue_dma source(%dma_start3A_38 : memref<32xi32, #tpu.memory_space<hbm>>) target(%arg7 : memref<32xi32, #tpu.memory_space<vmem>>) target_semaphore(%run_scoped3A_32 : memref<!tpu.dma_semaphore, #tpu.memory_space<semaphore_mem>>)
      %dma_wait3A_39 = arith.constant 0 : i32
      %dma_wait3A_40 = tpu.memref_slice %arg3[%add3A, %run_scoped3A, %dma_wait3A_39] : memref<32x2x32xi32, #tpu.memory_space<hbm>> -> memref<1x1x32xi32, #tpu.memory_space<hbm>>
      %dma_wait3A_41 = tpu.memref_squeeze %dma_wait3A_40 : memref<1x1x32xi32, #tpu.memory_space<hbm>> -> memref<32xi32, #tpu.memory_space<hbm>>
      %dma_wait3A_42 = arith.constant 0 : i32
      %dma_wait3A_43 = tpu.memref_slice %arg3[%add3A, %run_scoped3A, %dma_wait3A_42] : memref<32x2x32xi32, #tpu.memory_space<hbm>> -> memref<1x1x32xi32, #tpu.memory_space<hbm>>
      %dma_wait3A_44 = tpu.memref_squeeze %dma_wait3A_43 : memref<1x1x32xi32, #tpu.memory_space<hbm>> -> memref<32xi32, #tpu.memory_space<hbm>>
      tpu.wait_dma2 semaphore(%run_scoped3A_32 : memref<!tpu.dma_semaphore, #tpu.memory_space<semaphore_mem>>) src(%dma_wait3A_44 : memref<32xi32, #tpu.memory_space<hbm>>) dst(%arg7 : memref<32xi32, #tpu.memory_space<vmem>>)
      tpu.yield
    }) : () -> ()
    %run_scoped3A_3 = arith.constant 1 : i32
    "tpu.region"() ({
      %run_scoped3A_32 = tpu.sem_alloc : memref<!tpu.dma_semaphore, #tpu.memory_space<semaphore_mem>>
      %dma_start3A_33 = arith.constant 0 : i32
      %dma_start3A_34 = tpu.memref_slice %arg3[%add3A, %run_scoped3A_3, %dma_start3A_33] : memref<32x2x32xi32, #tpu.memory_space<hbm>> -> memref<1x1x32xi32, #tpu.memory_space<hbm>>
      %dma_start3A_35 = tpu.memref_squeeze %dma_start3A_34 : memref<1x1x32xi32, #tpu.memory_space<hbm>> -> memref<32xi32, #tpu.memory_space<hbm>>
      %dma_start3A_36 = arith.constant 0 : i32
      %dma_start3A_37 = tpu.memref_slice %arg3[%add3A, %run_scoped3A_3, %dma_start3A_36] : memref<32x2x32xi32, #tpu.memory_space<hbm>> -> memref<1x1x32xi32, #tpu.memory_space<hbm>>
      %dma_start3A_38 = tpu.memref_squeeze %dma_start3A_37 : memref<1x1x32xi32, #tpu.memory_space<hbm>> -> memref<32xi32, #tpu.memory_space<hbm>>
      tpu.enqueue_dma source(%dma_start3A_38 : memref<32xi32, #tpu.memory_space<hbm>>) target(%arg8 : memref<32xi32, #tpu.memory_space<vmem>>) target_semaphore(%run_scoped3A_32 : memref<!tpu.dma_semaphore, #tpu.memory_space<semaphore_mem>>)
      %dma_wait3A_39 = arith.constant 0 : i32
      %dma_wait3A_40 = tpu.memref_slice %arg3[%add3A, %run_scoped3A_3, %dma_wait3A_39] : memref<32x2x32xi32, #tpu.memory_space<hbm>> -> memref<1x1x32xi32, #tpu.memory_space<hbm>>
      %dma_wait3A_41 = tpu.memref_squeeze %dma_wait3A_40 : memref<1x1x32xi32, #tpu.memory_space<hbm>> -> memref<32xi32, #tpu.memory_space<hbm>>
      %dma_wait3A_42 = arith.constant 0 : i32
      %dma_wait3A_43 = tpu.memref_slice %arg3[%add3A, %run_scoped3A_3, %dma_wait3A_42] : memref<32x2x32xi32, #tpu.memory_space<hbm>> -> memref<1x1x32xi32, #tpu.memory_space<hbm>>
      %dma_wait3A_44 = tpu.memref_squeeze %dma_wait3A_43 : memref<1x1x32xi32, #tpu.memory_space<hbm>> -> memref<32xi32, #tpu.memory_space<hbm>>
      tpu.wait_dma2 semaphore(%run_scoped3A_32 : memref<!tpu.dma_semaphore, #tpu.memory_space<semaphore_mem>>) src(%dma_wait3A_44 : memref<32xi32, #tpu.memory_space<hbm>>) dst(%arg8 : memref<32xi32, #tpu.memory_space<vmem>>)
      tpu.yield
    }) : () -> ()
    %run_scoped3A_4 = arith.constant 0 : i32
    "tpu.region"() ({
      %run_scoped3A_32 = tpu.sem_alloc : memref<!tpu.dma_semaphore, #tpu.memory_space<semaphore_mem>>
      %dma_start3A_33 = arith.constant 0 : i32
      %dma_start3A_34 = tpu.memref_slice %arg4[%add3A, %run_scoped3A_4, %dma_start3A_33] : memref<32x2x32xi32, #tpu.memory_space<hbm>> -> memref<1x1x32xi32, #tpu.memory_space<hbm>>
      %dma_start3A_35 = tpu.memref_squeeze %dma_start3A_34 : memref<1x1x32xi32, #tpu.memory_space<hbm>> -> memref<32xi32, #tpu.memory_space<hbm>>
      %dma_start3A_36 = arith.constant 0 : i32
      %dma_start3A_37 = tpu.memref_slice %arg4[%add3A, %run_scoped3A_4, %dma_start3A_36] : memref<32x2x32xi32, #tpu.memory_space<hbm>> -> memref<1x1x32xi32, #tpu.memory_space<hbm>>
      %dma_start3A_38 = tpu.memref_squeeze %dma_start3A_37 : memref<1x1x32xi32, #tpu.memory_space<hbm>> -> memref<32xi32, #tpu.memory_space<hbm>>
      tpu.enqueue_dma source(%dma_start3A_38 : memref<32xi32, #tpu.memory_space<hbm>>) target(%arg9 : memref<32xi32, #tpu.memory_space<vmem>>) target_semaphore(%run_scoped3A_32 : memref<!tpu.dma_semaphore, #tpu.memory_space<semaphore_mem>>)
      %dma_wait3A_39 = arith.constant 0 : i32
      %dma_wait3A_40 = tpu.memref_slice %arg4[%add3A, %run_scoped3A_4, %dma_wait3A_39] : memref<32x2x32xi32, #tpu.memory_space<hbm>> -> memref<1x1x32xi32, #tpu.memory_space<hbm>>
      %dma_wait3A_41 = tpu.memref_squeeze %dma_wait3A_40 : memref<1x1x32xi32, #tpu.memory_space<hbm>> -> memref<32xi32, #tpu.memory_space<hbm>>
      %dma_wait3A_42 = arith.constant 0 : i32
      %dma_wait3A_43 = tpu.memref_slice %arg4[%add3A, %run_scoped3A_4, %dma_wait3A_42] : memref<32x2x32xi32, #tpu.memory_space<hbm>> -> memref<1x1x32xi32, #tpu.memory_space<hbm>>
      %dma_wait3A_44 = tpu.memref_squeeze %dma_wait3A_43 : memref<1x1x32xi32, #tpu.memory_space<hbm>> -> memref<32xi32, #tpu.memory_space<hbm>>
      tpu.wait_dma2 semaphore(%run_scoped3A_32 : memref<!tpu.dma_semaphore, #tpu.memory_space<semaphore_mem>>) src(%dma_wait3A_44 : memref<32xi32, #tpu.memory_space<hbm>>) dst(%arg9 : memref<32xi32, #tpu.memory_space<vmem>>)
      tpu.yield
    }) : () -> ()
    %run_scoped3A_5 = arith.constant 1 : i32
    "tpu.region"() ({
      %run_scoped3A_32 = tpu.sem_alloc : memref<!tpu.dma_semaphore, #tpu.memory_space<semaphore_mem>>
      %dma_start3A_33 = arith.constant 0 : i32
      %dma_start3A_34 = tpu.memref_slice %arg4[%add3A, %run_scoped3A_5, %dma_start3A_33] : memref<32x2x32xi32, #tpu.memory_space<hbm>> -> memref<1x1x32xi32, #tpu.memory_space<hbm>>
      %dma_start3A_35 = tpu.memref_squeeze %dma_start3A_34 : memref<1x1x32xi32, #tpu.memory_space<hbm>> -> memref<32xi32, #tpu.memory_space<hbm>>
      %dma_start3A_36 = arith.constant 0 : i32
      %dma_start3A_37 = tpu.memref_slice %arg4[%add3A, %run_scoped3A_5, %dma_start3A_36] : memref<32x2x32xi32, #tpu.memory_space<hbm>> -> memref<1x1x32xi32, #tpu.memory_space<hbm>>
      %dma_start3A_38 = tpu.memref_squeeze %dma_start3A_37 : memref<1x1x32xi32, #tpu.memory_space<hbm>> -> memref<32xi32, #tpu.memory_space<hbm>>
      tpu.enqueue_dma source(%dma_start3A_38 : memref<32xi32, #tpu.memory_space<hbm>>) target(%arg10 : memref<32xi32, #tpu.memory_space<vmem>>) target_semaphore(%run_scoped3A_32 : memref<!tpu.dma_semaphore, #tpu.memory_space<semaphore_mem>>)
      %dma_wait3A_39 = arith.constant 0 : i32
      %dma_wait3A_40 = tpu.memref_slice %arg4[%add3A, %run_scoped3A_5, %dma_wait3A_39] : memref<32x2x32xi32, #tpu.memory_space<hbm>> -> memref<1x1x32xi32, #tpu.memory_space<hbm>>
      %dma_wait3A_41 = tpu.memref_squeeze %dma_wait3A_40 : memref<1x1x32xi32, #tpu.memory_space<hbm>> -> memref<32xi32, #tpu.memory_space<hbm>>
      %dma_wait3A_42 = arith.constant 0 : i32
      %dma_wait3A_43 = tpu.memref_slice %arg4[%add3A, %run_scoped3A_5, %dma_wait3A_42] : memref<32x2x32xi32, #tpu.memory_space<hbm>> -> memref<1x1x32xi32, #tpu.memory_space<hbm>>
      %dma_wait3A_44 = tpu.memref_squeeze %dma_wait3A_43 : memref<1x1x32xi32, #tpu.memory_space<hbm>> -> memref<32xi32, #tpu.memory_space<hbm>>
      tpu.wait_dma2 semaphore(%run_scoped3A_32 : memref<!tpu.dma_semaphore, #tpu.memory_space<semaphore_mem>>) src(%dma_wait3A_44 : memref<32xi32, #tpu.memory_space<hbm>>) dst(%arg10 : memref<32xi32, #tpu.memory_space<vmem>>)
      tpu.yield
    }) : () -> ()
    %dma_start3A = arith.constant 0 : i32
    %dma_start3A_6 = arith.constant 0 : i32
    %dma_start3A_7 = tpu.memref_slice %arg2[%dma_start3A, %dma_start3A_6] : memref<6144x1024xf32, #tpu.memory_space<hbm>> -> memref<6144x1024xf32, #tpu.memory_space<hbm>>
    tpu.enqueue_indirect_dma source(%dma_start3A_7 : memref<6144x1024xf32, #tpu.memory_space<hbm>>) target(%arg11 : memref<32x1024xf32, #tpu.memory_space<vmem>>) offsets(%arg7 : memref<32xi32, #tpu.memory_space<vmem>>) semaphore(%arg13 : memref<!tpu.dma_semaphore, #tpu.memory_space<semaphore_mem>>)
    %dma_start3A_8 = arith.constant 0 : i32
    %dma_start3A_9 = arith.constant 0 : i32
    %dma_start3A_10 = tpu.memref_slice %arg2[%dma_start3A_8, %dma_start3A_9] : memref<6144x1024xf32, #tpu.memory_space<hbm>> -> memref<6144x1024xf32, #tpu.memory_space<hbm>>
    tpu.enqueue_indirect_dma source(%dma_start3A_10 : memref<6144x1024xf32, #tpu.memory_space<hbm>>) target(%arg12 : memref<32x1024xf32, #tpu.memory_space<vmem>>) offsets(%arg8 : memref<32xi32, #tpu.memory_space<vmem>>) semaphore(%arg14 : memref<!tpu.dma_semaphore, #tpu.memory_space<semaphore_mem>>)
    %dma_wait3A = arith.constant 0 : i32
    %dma_wait3A_11 = arith.constant 0 : i32
    %dma_wait3A_12 = tpu.memref_slice %arg2[%dma_wait3A, %dma_wait3A_11] : memref<6144x1024xf32, #tpu.memory_space<hbm>> -> memref<6144x1024xf32, #tpu.memory_space<hbm>>
    tpu.wait_indirect_dma semaphore(%arg13 : memref<!tpu.dma_semaphore, #tpu.memory_space<semaphore_mem>>) src(%dma_wait3A_12 : memref<6144x1024xf32, #tpu.memory_space<hbm>>) dst(%arg11 : memref<32x1024xf32, #tpu.memory_space<vmem>>)
    "tpu.region"() ({
      %run_scoped3A_32 = tpu.sem_alloc : memref<!tpu.dma_semaphore, #tpu.memory_space<semaphore_mem>>
      %dma_start3A_33 = arith.constant 0 : i32
      %dma_start3A_34 = tpu.memref_slice %arg5[%mul3A_2, %dma_start3A_33] : memref<2048x1024xf32, #tpu.memory_space<hbm>> -> memref<32x1024xf32, #tpu.memory_space<hbm>>
      %dma_start3A_35 = arith.constant 0 : i32
      %dma_start3A_36 = tpu.memref_slice %arg5[%mul3A_2, %dma_start3A_35] : memref<2048x1024xf32, #tpu.memory_space<hbm>> -> memref<32x1024xf32, #tpu.memory_space<hbm>>
      tpu.enqueue_dma source(%arg11 : memref<32x1024xf32, #tpu.memory_space<vmem>>) target(%dma_start3A_36 : memref<32x1024xf32, #tpu.memory_space<hbm>>) target_semaphore(%run_scoped3A_32 : memref<!tpu.dma_semaphore, #tpu.memory_space<semaphore_mem>>)
      %dma_wait3A_37 = arith.constant 0 : i32
      %dma_wait3A_38 = tpu.memref_slice %arg5[%mul3A_2, %dma_wait3A_37] : memref<2048x1024xf32, #tpu.memory_space<hbm>> -> memref<32x1024xf32, #tpu.memory_space<hbm>>
      %dma_wait3A_39 = arith.constant 0 : i32
      %dma_wait3A_40 = tpu.memref_slice %arg5[%mul3A_2, %dma_wait3A_39] : memref<2048x1024xf32, #tpu.memory_space<hbm>> -> memref<32x1024xf32, #tpu.memory_space<hbm>>
      tpu.wait_dma2 semaphore(%run_scoped3A_32 : memref<!tpu.dma_semaphore, #tpu.memory_space<semaphore_mem>>) src(%arg11 : memref<32x1024xf32, #tpu.memory_space<vmem>>) dst(%dma_wait3A_40 : memref<32x1024xf32, #tpu.memory_space<hbm>>)
      tpu.yield
    }) : () -> ()
    %dma_start3A_13 = arith.constant 0 : i32
    %dma_start3A_14 = arith.constant 0 : i32
    %dma_start3A_15 = tpu.memref_slice %arg2[%dma_start3A_13, %dma_start3A_14] : memref<6144x1024xf32, #tpu.memory_space<hbm>> -> memref<6144x1024xf32, #tpu.memory_space<hbm>>
    tpu.enqueue_indirect_dma source(%dma_start3A_15 : memref<6144x1024xf32, #tpu.memory_space<hbm>>) target(%arg11 : memref<32x1024xf32, #tpu.memory_space<vmem>>) offsets(%arg9 : memref<32xi32, #tpu.memory_space<vmem>>) semaphore(%arg13 : memref<!tpu.dma_semaphore, #tpu.memory_space<semaphore_mem>>)
    %dma_wait3A_16 = arith.constant 0 : i32
    %dma_wait3A_17 = arith.constant 0 : i32
    %dma_wait3A_18 = tpu.memref_slice %arg2[%dma_wait3A_16, %dma_wait3A_17] : memref<6144x1024xf32, #tpu.memory_space<hbm>> -> memref<6144x1024xf32, #tpu.memory_space<hbm>>
    tpu.wait_indirect_dma semaphore(%arg14 : memref<!tpu.dma_semaphore, #tpu.memory_space<semaphore_mem>>) src(%dma_wait3A_18 : memref<6144x1024xf32, #tpu.memory_space<hbm>>) dst(%arg12 : memref<32x1024xf32, #tpu.memory_space<vmem>>)
    %add3A_19 = arith.constant 32 : i32
    %add3A_20 = arith.addi %mul3A_2, %add3A_19 : i32
    "tpu.region"() ({
      %run_scoped3A_32 = tpu.sem_alloc : memref<!tpu.dma_semaphore, #tpu.memory_space<semaphore_mem>>
      %dma_start3A_33 = arith.constant 0 : i32
      %dma_start3A_34 = tpu.memref_slice %arg5[%add3A_20, %dma_start3A_33] : memref<2048x1024xf32, #tpu.memory_space<hbm>> -> memref<32x1024xf32, #tpu.memory_space<hbm>>
      %dma_start3A_35 = arith.constant 0 : i32
      %dma_start3A_36 = tpu.memref_slice %arg5[%add3A_20, %dma_start3A_35] : memref<2048x1024xf32, #tpu.memory_space<hbm>> -> memref<32x1024xf32, #tpu.memory_space<hbm>>
      tpu.enqueue_dma source(%arg12 : memref<32x1024xf32, #tpu.memory_space<vmem>>) target(%dma_start3A_36 : memref<32x1024xf32, #tpu.memory_space<hbm>>) target_semaphore(%run_scoped3A_32 : memref<!tpu.dma_semaphore, #tpu.memory_space<semaphore_mem>>)
      %dma_wait3A_37 = arith.constant 0 : i32
      %dma_wait3A_38 = tpu.memref_slice %arg5[%add3A_20, %dma_wait3A_37] : memref<2048x1024xf32, #tpu.memory_space<hbm>> -> memref<32x1024xf32, #tpu.memory_space<hbm>>
      %dma_wait3A_39 = arith.constant 0 : i32
      %dma_wait3A_40 = tpu.memref_slice %arg5[%add3A_20, %dma_wait3A_39] : memref<2048x1024xf32, #tpu.memory_space<hbm>> -> memref<32x1024xf32, #tpu.memory_space<hbm>>
      tpu.wait_dma2 semaphore(%run_scoped3A_32 : memref<!tpu.dma_semaphore, #tpu.memory_space<semaphore_mem>>) src(%arg12 : memref<32x1024xf32, #tpu.memory_space<vmem>>) dst(%dma_wait3A_40 : memref<32x1024xf32, #tpu.memory_space<hbm>>)
      tpu.yield
    }) : () -> ()
    %dma_start3A_21 = arith.constant 0 : i32
    %dma_start3A_22 = arith.constant 0 : i32
    %dma_start3A_23 = tpu.memref_slice %arg2[%dma_start3A_21, %dma_start3A_22] : memref<6144x1024xf32, #tpu.memory_space<hbm>> -> memref<6144x1024xf32, #tpu.memory_space<hbm>>
    tpu.enqueue_indirect_dma source(%dma_start3A_23 : memref<6144x1024xf32, #tpu.memory_space<hbm>>) target(%arg12 : memref<32x1024xf32, #tpu.memory_space<vmem>>) offsets(%arg10 : memref<32xi32, #tpu.memory_space<vmem>>) semaphore(%arg14 : memref<!tpu.dma_semaphore, #tpu.memory_space<semaphore_mem>>)
    %dma_wait3A_24 = arith.constant 0 : i32
    %dma_wait3A_25 = arith.constant 0 : i32
    %dma_wait3A_26 = tpu.memref_slice %arg2[%dma_wait3A_24, %dma_wait3A_25] : memref<6144x1024xf32, #tpu.memory_space<hbm>> -> memref<6144x1024xf32, #tpu.memory_space<hbm>>
    tpu.wait_indirect_dma semaphore(%arg13 : memref<!tpu.dma_semaphore, #tpu.memory_space<semaphore_mem>>) src(%dma_wait3A_26 : memref<6144x1024xf32, #tpu.memory_space<hbm>>) dst(%arg11 : memref<32x1024xf32, #tpu.memory_space<vmem>>)
    "tpu.region"() ({
      %run_scoped3A_32 = tpu.sem_alloc : memref<!tpu.dma_semaphore, #tpu.memory_space<semaphore_mem>>
      %dma_start3A_33 = arith.constant 0 : i32
      %dma_start3A_34 = tpu.memref_slice %arg6[%mul3A_2, %dma_start3A_33] : memref<2048x1024xf32, #tpu.memory_space<hbm>> -> memref<32x1024xf32, #tpu.memory_space<hbm>>
      %dma_start3A_35 = arith.constant 0 : i32
      %dma_start3A_36 = tpu.memref_slice %arg6[%mul3A_2, %dma_start3A_35] : memref<2048x1024xf32, #tpu.memory_space<hbm>> -> memref<32x1024xf32, #tpu.memory_space<hbm>>
      tpu.enqueue_dma source(%arg11 : memref<32x1024xf32, #tpu.memory_space<vmem>>) target(%dma_start3A_36 : memref<32x1024xf32, #tpu.memory_space<hbm>>) target_semaphore(%run_scoped3A_32 : memref<!tpu.dma_semaphore, #tpu.memory_space<semaphore_mem>>)
      %dma_wait3A_37 = arith.constant 0 : i32
      %dma_wait3A_38 = tpu.memref_slice %arg6[%mul3A_2, %dma_wait3A_37] : memref<2048x1024xf32, #tpu.memory_space<hbm>> -> memref<32x1024xf32, #tpu.memory_space<hbm>>
      %dma_wait3A_39 = arith.constant 0 : i32
      %dma_wait3A_40 = tpu.memref_slice %arg6[%mul3A_2, %dma_wait3A_39] : memref<2048x1024xf32, #tpu.memory_space<hbm>> -> memref<32x1024xf32, #tpu.memory_space<hbm>>
      tpu.wait_dma2 semaphore(%run_scoped3A_32 : memref<!tpu.dma_semaphore, #tpu.memory_space<semaphore_mem>>) src(%arg11 : memref<32x1024xf32, #tpu.memory_space<vmem>>) dst(%dma_wait3A_40 : memref<32x1024xf32, #tpu.memory_space<hbm>>)
      tpu.yield
    }) : () -> ()
    %dma_wait3A_27 = arith.constant 0 : i32
    %dma_wait3A_28 = arith.constant 0 : i32
    %dma_wait3A_29 = tpu.memref_slice %arg2[%dma_wait3A_27, %dma_wait3A_28] : memref<6144x1024xf32, #tpu.memory_space<hbm>> -> memref<6144x1024xf32, #tpu.memory_space<hbm>>
    tpu.wait_indirect_dma semaphore(%arg14 : memref<!tpu.dma_semaphore, #tpu.memory_space<semaphore_mem>>) src(%dma_wait3A_29 : memref<6144x1024xf32, #tpu.memory_space<hbm>>) dst(%arg12 : memref<32x1024xf32, #tpu.memory_space<vmem>>)
    %add3A_30 = arith.constant 32 : i32
    %add3A_31 = arith.addi %mul3A_2, %add3A_30 : i32
    "tpu.region"() ({
      %run_scoped3A_32 = tpu.sem_alloc : memref<!tpu.dma_semaphore, #tpu.memory_space<semaphore_mem>>
      %dma_start3A_33 = arith.constant 0 : i32
      %dma_start3A_34 = tpu.memref_slice %arg6[%add3A_31, %dma_start3A_33] : memref<2048x1024xf32, #tpu.memory_space<hbm>> -> memref<32x1024xf32, #tpu.memory_space<hbm>>
      %dma_start3A_35 = arith.constant 0 : i32
      %dma_start3A_36 = tpu.memref_slice %arg6[%add3A_31, %dma_start3A_35] : memref<2048x1024xf32, #tpu.memory_space<hbm>> -> memref<32x1024xf32, #tpu.memory_space<hbm>>
      tpu.enqueue_dma source(%arg12 : memref<32x1024xf32, #tpu.memory_space<vmem>>) target(%dma_start3A_36 : memref<32x1024xf32, #tpu.memory_space<hbm>>) target_semaphore(%run_scoped3A_32 : memref<!tpu.dma_semaphore, #tpu.memory_space<semaphore_mem>>)
      %dma_wait3A_37 = arith.constant 0 : i32
      %dma_wait3A_38 = tpu.memref_slice %arg6[%add3A_31, %dma_wait3A_37] : memref<2048x1024xf32, #tpu.memory_space<hbm>> -> memref<32x1024xf32, #tpu.memory_space<hbm>>
      %dma_wait3A_39 = arith.constant 0 : i32
      %dma_wait3A_40 = tpu.memref_slice %arg6[%add3A_31, %dma_wait3A_39] : memref<2048x1024xf32, #tpu.memory_space<hbm>> -> memref<32x1024xf32, #tpu.memory_space<hbm>>
      tpu.wait_dma2 semaphore(%run_scoped3A_32 : memref<!tpu.dma_semaphore, #tpu.memory_space<semaphore_mem>>) src(%arg12 : memref<32x1024xf32, #tpu.memory_space<vmem>>) dst(%dma_wait3A_40 : memref<32x1024xf32, #tpu.memory_space<hbm>>)
      tpu.yield
    }) : () -> ()
    return
  }
}

module attributes {stable_mosaic.version = 14 : i64} {
  func.func @_gate_body(%arg0: i32, %arg1: memref<256x1024xf32, #tpu.memory_space<vmem>>, %arg2: memref<1024x128xf32, #tpu.memory_space<vmem>>, %arg3: memref<256x128xi32, #tpu.memory_space<vmem>>, %arg4: memref<256x128xf32, #tpu.memory_space<vmem>>, %arg5: memref<8x128xf32, #tpu.memory_space<vmem>>, %arg6: memref<8x128xi32, #tpu.memory_space<vmem>>) attributes {dimension_semantics = [#tpu.dimension_semantics<arbitrary>], iteration_bounds = array<i64: 8>, scalar_prefetch = 0 : i64, scratch_operands = 0 : i64, tpu.core_type = #tpu.core_type<tc>, window_params = [{transform_indices = @transform_0, window_bounds = array<i64: 256, 1024>}, {pipeline_mode = #tpu.pipeline_mode<synchronous>, transform_indices = @transform_1, window_bounds = array<i64: 1024, 128>}, {transform_indices = @transform_2, window_bounds = array<i64: 256, 128>}, {transform_indices = @transform_3, window_bounds = array<i64: 256, 128>}, {pipeline_mode = #tpu.pipeline_mode<synchronous>, transform_indices = @transform_4, window_bounds = array<i64: 8, 128>}, {pipeline_mode = #tpu.pipeline_mode<synchronous>, transform_indices = @transform_5, window_bounds = array<i64: 8, 128>}]} {
    %get3A = arith.constant 0 : index
    %get3A_0 = arith.constant 0 : index
    %get3A_1 = vector.load %arg1[%get3A, %get3A_0] : memref<256x1024xf32, #tpu.memory_space<vmem>>, vector<256x1024xf32>
    %get3A_2 = arith.constant 0 : index
    %get3A_3 = arith.constant 0 : index
    %get3A_4 = vector.load %arg2[%get3A_2, %get3A_3] : memref<1024x128xf32, #tpu.memory_space<vmem>>, vector<1024x128xf32>
    %dot_general3A = arith.constant dense<0.000000e+00> : vector<256x128xf32>
    %dot_general3A_5 = tpu.matmul %get3A_1, %get3A_4, %dot_general3A {dimension_numbers = #tpu.dot_dimension_numbers<[1], [0], [0], [1], [0, 0, 1, 1], [], []>, transpose_lhs_hint = false} : vector<256x1024xf32>, vector<1024x128xf32>, vector<256x128xf32> -> vector<256x128xf32>
    %iota3A = tpu.iota {dimensions = array<i32: 1>} : vector<256x128xi32>
    %lt3A = arith.constant 8 : i32
    %lt3A_6 = vector.broadcast %lt3A : i32 to vector<256x128xi32>
    %lt3A_7 = arith.cmpi slt, %iota3A, %lt3A_6 : vector<256x128xi32>
    %jit3A = arith.constant -1.000000e+30 : f32
    %broadcast_in_dim3A = vector.broadcast %jit3A : f32 to vector<256x128xf32>
    %select_n3A = arith.select %lt3A_7, %dot_general3A_5, %broadcast_in_dim3A : vector<256x128xi1>, vector<256x128xf32>
    %reduce_max3A = arith.constant dense<0xFF800000> : vector<256xf32>
    %reduce_max3A_8 = vector.multi_reduction <maximumf>, %select_n3A, %reduce_max3A [1] : vector<256x128xf32> to vector<256xf32>
    %broadcast_in_dim3A_9 = vector.shape_cast %reduce_max3A_8 : vector<256xf32> to vector<256x1xf32>
    %sub3A = vector.broadcast %broadcast_in_dim3A_9 : vector<256x1xf32> to vector<256x128xf32>
    %sub3A_10 = arith.subf %select_n3A, %sub3A : vector<256x128xf32>
    %exp3A = math.exp %sub3A_10 : vector<256x128xf32>
    %jit3A_11 = arith.constant 0.000000e+00 : f32
    %broadcast_in_dim3A_12 = vector.broadcast %jit3A_11 : f32 to vector<256x128xf32>
    %select_n3A_13 = arith.select %lt3A_7, %exp3A, %broadcast_in_dim3A_12 : vector<256x128xi1>, vector<256x128xf32>
    %reduce_sum3A = arith.constant dense<0.000000e+00> : vector<256xf32>
    %reduce_sum3A_14 = vector.multi_reduction <add>, %select_n3A_13, %reduce_sum3A [1] : vector<256x128xf32> to vector<256xf32>
    %broadcast_in_dim3A_15 = vector.shape_cast %reduce_sum3A_14 : vector<256xf32> to vector<256x1xf32>
    %div3A = vector.broadcast %broadcast_in_dim3A_15 : vector<256x1xf32> to vector<256x128xf32>
    %div3A_16 = arith.divf %select_n3A_13, %div3A : vector<256x128xf32>
    %reduce_max3A_17 = arith.constant dense<0xFF800000> : vector<256xf32>
    %reduce_max3A_18 = vector.multi_reduction <maximumf>, %div3A_16, %reduce_max3A_17 [1] : vector<256x128xf32> to vector<256xf32>
    %broadcast_in_dim3A_19 = vector.shape_cast %reduce_max3A_18 : vector<256xf32> to vector<256x1xf32>
    %eq3A = vector.broadcast %broadcast_in_dim3A_19 : vector<256x1xf32> to vector<256x128xf32>
    %eq3A_20 = arith.cmpf oeq, %div3A_16, %eq3A : vector<256x128xf32>
    %jit3A_21 = arith.constant 128 : i32
    %broadcast_in_dim3A_22 = vector.broadcast %jit3A_21 : i32 to vector<256x128xi32>
    %select_n3A_23 = arith.select %eq3A_20, %iota3A, %broadcast_in_dim3A_22 : vector<256x128xi1>, vector<256x128xi32>
    %reduce_min3A = arith.constant dense<2147483647> : vector<256xi32>
    %reduce_min3A_24 = vector.multi_reduction <minsi>, %select_n3A_23, %reduce_min3A [1] : vector<256x128xi32> to vector<256xi32>
    %broadcast_in_dim3A_25 = vector.shape_cast %reduce_min3A_24 : vector<256xi32> to vector<256x1xi32>
    %eq3A_26 = vector.broadcast %broadcast_in_dim3A_25 : vector<256x1xi32> to vector<256x128xi32>
    %eq3A_27 = arith.cmpi eq, %iota3A, %eq3A_26 : vector<256x128xi32>
    %jit3A_28 = arith.constant -1.000000e+00 : f32
    %broadcast_in_dim3A_29 = vector.broadcast %jit3A_28 : f32 to vector<256x128xf32>
    %select_n3A_30 = arith.select %eq3A_27, %broadcast_in_dim3A_29, %div3A_16 : vector<256x128xi1>, vector<256x128xf32>
    %reduce_max3A_31 = arith.constant dense<0xFF800000> : vector<256xf32>
    %reduce_max3A_32 = vector.multi_reduction <maximumf>, %select_n3A_30, %reduce_max3A_31 [1] : vector<256x128xf32> to vector<256xf32>
    %broadcast_in_dim3A_33 = vector.shape_cast %reduce_max3A_32 : vector<256xf32> to vector<256x1xf32>
    %eq3A_34 = vector.broadcast %broadcast_in_dim3A_33 : vector<256x1xf32> to vector<256x128xf32>
    %eq3A_35 = arith.cmpf oeq, %select_n3A_30, %eq3A_34 : vector<256x128xf32>
    %jit3A_36 = arith.constant 128 : i32
    %broadcast_in_dim3A_37 = vector.broadcast %jit3A_36 : i32 to vector<256x128xi32>
    %select_n3A_38 = arith.select %eq3A_35, %iota3A, %broadcast_in_dim3A_37 : vector<256x128xi1>, vector<256x128xi32>
    %reduce_min3A_39 = arith.constant dense<2147483647> : vector<256xi32>
    %reduce_min3A_40 = vector.multi_reduction <minsi>, %select_n3A_38, %reduce_min3A_39 [1] : vector<256x128xi32> to vector<256xi32>
    %broadcast_in_dim3A_41 = vector.shape_cast %reduce_min3A_40 : vector<256xi32> to vector<256x1xi32>
    %add3A = arith.addf %broadcast_in_dim3A_19, %broadcast_in_dim3A_33 : vector<256x1xf32>
    %add3A_42 = arith.constant 9.99999971E-10 : f32
    %add3A_43 = vector.broadcast %add3A_42 : f32 to vector<256x1xf32>
    %add3A_44 = arith.addf %add3A, %add3A_43 : vector<256x1xf32>
    %div3A_45 = arith.divf %broadcast_in_dim3A_19, %add3A_44 : vector<256x1xf32>
    %div3A_46 = arith.divf %broadcast_in_dim3A_33, %add3A_44 : vector<256x1xf32>
    %eq3A_47 = vector.broadcast %broadcast_in_dim3A_25 : vector<256x1xi32> to vector<256x128xi32>
    %eq3A_48 = arith.cmpi eq, %iota3A, %eq3A_47 : vector<256x128xi32>
    %convert_element_type3A = arith.extui %eq3A_48 : vector<256x128xi1> to vector<256x128xi32>
    %convert_element_type3A_49 = arith.sitofp %convert_element_type3A : vector<256x128xi32> to vector<256x128xf32>
    %eq3A_50 = vector.broadcast %broadcast_in_dim3A_41 : vector<256x1xi32> to vector<256x128xi32>
    %eq3A_51 = arith.cmpi eq, %iota3A, %eq3A_50 : vector<256x128xi32>
    %convert_element_type3A_52 = arith.extui %eq3A_51 : vector<256x128xi1> to vector<256x128xi32>
    %convert_element_type3A_53 = arith.sitofp %convert_element_type3A_52 : vector<256x128xi32> to vector<256x128xf32>
    %eq3A_54 = arith.constant 0 : i32
    %eq3A_55 = vector.broadcast %eq3A_54 : i32 to vector<256x128xi32>
    %eq3A_56 = arith.cmpi eq, %iota3A, %eq3A_55 : vector<256x128xi32>
    %convert_element_type3A_57 = arith.extui %eq3A_56 : vector<256x128xi1> to vector<256x128xi32>
    %convert_element_type3A_58 = arith.sitofp %convert_element_type3A_57 : vector<256x128xi32> to vector<256x128xf32>
    %eq3A_59 = arith.constant 1 : i32
    %eq3A_60 = vector.broadcast %eq3A_59 : i32 to vector<256x128xi32>
    %eq3A_61 = arith.cmpi eq, %iota3A, %eq3A_60 : vector<256x128xi32>
    %convert_element_type3A_62 = arith.extui %eq3A_61 : vector<256x128xi1> to vector<256x128xi32>
    %convert_element_type3A_63 = arith.sitofp %convert_element_type3A_62 : vector<256x128xi32> to vector<256x128xf32>
    %eq3A_64 = arith.constant 0 : i32
    %eq3A_65 = arith.cmpi eq, %arg0, %eq3A_64 : i32
    %convert_element_type3A_66 = arith.extui %eq3A_65 : i1 to i32
    %cond3A = arith.constant 0 : i32
    %cond3A_67 = arith.cmpi ne, %convert_element_type3A_66, %cond3A : i32
    scf.if %cond3A_67 {
      %broadcast_in_dim3A_145 = arith.constant 0.000000e+00 : f32
      %broadcast_in_dim3A_146 = vector.broadcast %broadcast_in_dim3A_145 : f32 to vector<8x128xf32>
      %swap3A_147 = arith.constant 0 : index
      %swap3A_148 = arith.constant 0 : index
      %swap3A_149 = vector.load %arg5[%swap3A_147, %swap3A_148] : memref<8x128xf32, #tpu.memory_space<vmem>>, vector<8x128xf32>
      tpu.vector_store %arg5[%swap3A_147, %swap3A_148], %broadcast_in_dim3A_146 {strides = array<i32>} : memref<8x128xf32, #tpu.memory_space<vmem>>, vector<8x128xf32>,
    } else {
    }
    %get3A_68 = arith.constant 0 : index
    %get3A_69 = arith.constant 0 : index
    %get3A_70 = vector.load %arg5[%get3A_68, %get3A_69] : memref<8x128xf32, #tpu.memory_space<vmem>>, vector<1x128xf32>
    %add3A_71 = arith.addf %convert_element_type3A_49, %convert_element_type3A_53 : vector<256x128xf32>
    %iota3A_72 = tpu.iota {dimensions = array<i32: 0>} : vector<256x256xi32>
    %iota3A_73 = tpu.iota {dimensions = array<i32: 1>} : vector<256x256xi32>
    %gt3A = arith.cmpi sgt, %iota3A_72, %iota3A_73 : vector<256x256xi32>
    %convert_element_type3A_74 = arith.extui %gt3A : vector<256x256xi1> to vector<256x256xi32>
    %convert_element_type3A_75 = arith.sitofp %convert_element_type3A_74 : vector<256x256xi32> to vector<256x256xf32>
    %dot_general3A_76 = arith.constant dense<0.000000e+00> : vector<256x128xf32>
    %dot_general3A_77 = tpu.matmul %convert_element_type3A_75, %add3A_71, %dot_general3A_76 {dimension_numbers = #tpu.dot_dimension_numbers<[1], [0], [0], [1], [0, 0, 1, 1], [], []>, transpose_lhs_hint = false} : vector<256x256xf32>, vector<256x128xf32>, vector<256x128xf32> -> vector<256x128xf32>
    %add3A_78 = vector.broadcast %get3A_70 : vector<1x128xf32> to vector<256x128xf32>
    %add3A_79 = arith.addf %dot_general3A_77, %add3A_78 : vector<256x128xf32>
    %mul3A = arith.mulf %add3A_79, %convert_element_type3A_49 : vector<256x128xf32>
    %reduce_sum3A_80 = arith.constant dense<0.000000e+00> : vector<256xf32>
    %reduce_sum3A_81 = vector.multi_reduction <add>, %mul3A, %reduce_sum3A_80 [1] : vector<256x128xf32> to vector<256xf32>
    %broadcast_in_dim3A_82 = vector.shape_cast %reduce_sum3A_81 : vector<256xf32> to vector<256x1xf32>
    %convert_element_type3A_83 = arith.fptosi %broadcast_in_dim3A_82 : vector<256x1xf32> to vector<256x1xi32>
    %mul3A_84 = arith.mulf %add3A_79, %convert_element_type3A_53 : vector<256x128xf32>
    %reduce_sum3A_85 = arith.constant dense<0.000000e+00> : vector<256xf32>
    %reduce_sum3A_86 = vector.multi_reduction <add>, %mul3A_84, %reduce_sum3A_85 [1] : vector<256x128xf32> to vector<256xf32>
    %broadcast_in_dim3A_87 = vector.shape_cast %reduce_sum3A_86 : vector<256xf32> to vector<256x1xf32>
    %convert_element_type3A_88 = arith.fptosi %broadcast_in_dim3A_87 : vector<256x1xf32> to vector<256x1xi32>
    %mul3A_89 = arith.constant 4096 : i32
    %mul3A_90 = vector.broadcast %mul3A_89 : i32 to vector<256x1xi32>
    %mul3A_91 = arith.muli %broadcast_in_dim3A_25, %mul3A_90 : vector<256x1xi32>
    %add3A_92 = arith.addi %mul3A_91, %convert_element_type3A_83 : vector<256x1xi32>
    %mul3A_93 = arith.constant 4096 : i32
    %mul3A_94 = vector.broadcast %mul3A_93 : i32 to vector<256x1xi32>
    %mul3A_95 = arith.muli %broadcast_in_dim3A_41, %mul3A_94 : vector<256x1xi32>
    %add3A_96 = arith.addi %mul3A_95, %convert_element_type3A_88 : vector<256x1xi32>
    %eq3A_97 = arith.constant 0 : i32
    %eq3A_98 = vector.broadcast %eq3A_97 : i32 to vector<256x128xi32>
    %eq3A_99 = arith.cmpi eq, %iota3A, %eq3A_98 : vector<256x128xi32>
    %convert_element_type3A_100 = arith.extui %eq3A_99 : vector<256x128xi1> to vector<256x128xi32>
    %mul3A_101 = vector.broadcast %add3A_92 : vector<256x1xi32> to vector<256x128xi32>
    %mul3A_102 = arith.muli %mul3A_101, %convert_element_type3A_100 : vector<256x128xi32>
    %eq3A_103 = arith.constant 1 : i32
    %eq3A_104 = vector.broadcast %eq3A_103 : i32 to vector<256x128xi32>
    %eq3A_105 = arith.cmpi eq, %iota3A, %eq3A_104 : vector<256x128xi32>
    %convert_element_type3A_106 = arith.extui %eq3A_105 : vector<256x128xi1> to vector<256x128xi32>
    %mul3A_107 = vector.broadcast %add3A_96 : vector<256x1xi32> to vector<256x128xi32>
    %mul3A_108 = arith.muli %mul3A_107, %convert_element_type3A_106 : vector<256x128xi32>
    %add3A_109 = arith.addi %mul3A_102, %mul3A_108 : vector<256x128xi32>
    %swap3A = arith.constant 0 : index
    %swap3A_110 = arith.constant 0 : index
    %swap3A_111 = vector.load %arg3[%swap3A, %swap3A_110] : memref<256x128xi32, #tpu.memory_space<vmem>>, vector<256x128xi32>
    tpu.vector_store %arg3[%swap3A, %swap3A_110], %add3A_109 {strides = array<i32>} : memref<256x128xi32, #tpu.memory_space<vmem>>, vector<256x128xi32>,
    %mul3A_112 = vector.broadcast %div3A_45 : vector<256x1xf32> to vector<256x128xf32>
    %mul3A_113 = arith.mulf %mul3A_112, %convert_element_type3A_58 : vector<256x128xf32>
    %mul3A_114 = vector.broadcast %div3A_46 : vector<256x1xf32> to vector<256x128xf32>
    %mul3A_115 = arith.mulf %mul3A_114, %convert_element_type3A_63 : vector<256x128xf32>
    %add3A_116 = arith.addf %mul3A_113, %mul3A_115 : vector<256x128xf32>
    %swap3A_117 = arith.constant 0 : index
    %swap3A_118 = arith.constant 0 : index
    %swap3A_119 = vector.load %arg4[%swap3A_117, %swap3A_118] : memref<256x128xf32, #tpu.memory_space<vmem>>, vector<256x128xf32>
    tpu.vector_store %arg4[%swap3A_117, %swap3A_118], %add3A_116 {strides = array<i32>} : memref<256x128xf32, #tpu.memory_space<vmem>>, vector<256x128xf32>,
    %reduce_sum3A_120 = arith.constant dense<0.000000e+00> : vector<128xf32>
    %reduce_sum3A_121 = vector.multi_reduction <add>, %add3A_71, %reduce_sum3A_120 [0] : vector<256x128xf32> to vector<128xf32>
    %broadcast_in_dim3A_122 = vector.shape_cast %reduce_sum3A_121 : vector<128xf32> to vector<1x128xf32>
    %reduce_sum3A_123 = arith.constant dense<0.000000e+00> : vector<128xf32>
    %reduce_sum3A_124 = vector.multi_reduction <add>, %div3A_16, %reduce_sum3A_123 [0] : vector<256x128xf32> to vector<128xf32>
    %broadcast_in_dim3A_125 = vector.shape_cast %reduce_sum3A_124 : vector<128xf32> to vector<1x128xf32>
    %get3A_126 = arith.constant 0 : index
    %get3A_127 = arith.constant 0 : index
    %get3A_128 = vector.load %arg5[%get3A_126, %get3A_127] : memref<8x128xf32, #tpu.memory_space<vmem>>, vector<1x128xf32>
    %add3A_129 = arith.addf %get3A_128, %broadcast_in_dim3A_122 : vector<1x128xf32>
    %swap3A_130 = arith.constant 0 : index
    %swap3A_131 = arith.constant 0 : index
    %swap3A_132 = vector.load %arg5[%swap3A_130, %swap3A_131] : memref<8x128xf32, #tpu.memory_space<vmem>>, vector<1x128xf32>
    tpu.vector_store %arg5[%swap3A_130, %swap3A_131], %add3A_129 {strides = array<i32>} : memref<8x128xf32, #tpu.memory_space<vmem>>, vector<1x128xf32>,
    %get3A_133 = arith.constant 1 : index
    %get3A_134 = arith.constant 0 : index
    %get3A_135 = vector.load %arg5[%get3A_133, %get3A_134] : memref<8x128xf32, #tpu.memory_space<vmem>>, vector<1x128xf32>
    %add3A_136 = arith.addf %get3A_135, %broadcast_in_dim3A_125 : vector<1x128xf32>
    %swap3A_137 = arith.constant 1 : index
    %swap3A_138 = arith.constant 0 : index
    %swap3A_139 = vector.load %arg5[%swap3A_137, %swap3A_138] : memref<8x128xf32, #tpu.memory_space<vmem>>, vector<1x128xf32>
    tpu.vector_store %arg5[%swap3A_137, %swap3A_138], %add3A_136 {strides = array<i32>} : memref<8x128xf32, #tpu.memory_space<vmem>>, vector<1x128xf32>,
    %eq3A_140 = arith.constant 7 : i32
    %eq3A_141 = arith.cmpi eq, %arg0, %eq3A_140 : i32
    %convert_element_type3A_142 = arith.extui %eq3A_141 : i1 to i32
    %cond3A_143 = arith.constant 0 : i32
    %cond3A_144 = arith.cmpi ne, %convert_element_type3A_142, %cond3A_143 : i32
    scf.if %cond3A_144 {
      %get3A_145 = arith.constant 0 : index
      %get3A_146 = arith.constant 0 : index
      %get3A_147 = vector.load %arg5[%get3A_145, %get3A_146] : memref<8x128xf32, #tpu.memory_space<vmem>>, vector<1x128xf32>
      %mul3A_148 = arith.constant 4.8828125E-4 : f32
      %mul3A_149 = vector.broadcast %mul3A_148 : f32 to vector<1x128xf32>
      %mul3A_150 = arith.mulf %get3A_147, %mul3A_149 : vector<1x128xf32>
      %get3A_151 = arith.constant 1 : index
      %get3A_152 = arith.constant 0 : index
      %get3A_153 = vector.load %arg5[%get3A_151, %get3A_152] : memref<8x128xf32, #tpu.memory_space<vmem>>, vector<1x128xf32>
      %mul3A_154 = arith.constant 4.8828125E-4 : f32
      %mul3A_155 = vector.broadcast %mul3A_154 : f32 to vector<1x128xf32>
      %mul3A_156 = arith.mulf %get3A_153, %mul3A_155 : vector<1x128xf32>
      %mul3A_157 = arith.mulf %mul3A_150, %mul3A_156 : vector<1x128xf32>
      %reduce_sum3A_158 = vector.shape_cast %mul3A_157 : vector<1x128xf32> to vector<1x1x128xf32>
      %reduce_sum3A_159 = arith.constant dense<0.000000e+00> : vector<1xf32>
      %reduce_sum3A_160 = vector.multi_reduction <add>, %reduce_sum3A_158, %reduce_sum3A_159 [1, 2] : vector<1x1x128xf32> to vector<1xf32>
      %reduce_sum3A_161 = vector.shape_cast %reduce_sum3A_160 : vector<1xf32> to vector<1x1x1xf32>
      %reduce_sum3A_162 = vector.extract %reduce_sum3A_161[0, 0, 0] : f32 from vector<1x1x1xf32>
      %mul3A_163 = arith.constant 8.000000e+00 : f32
      %mul3A_164 = arith.mulf %mul3A_163, %reduce_sum3A_162 : f32
      %broadcast_in_dim3A_165 = vector.broadcast %mul3A_164 : f32 to vector<1x128xf32>
      %swap3A_166 = arith.constant 2 : index
      %swap3A_167 = arith.constant 0 : index
      %swap3A_168 = vector.load %arg5[%swap3A_166, %swap3A_167] : memref<8x128xf32, #tpu.memory_space<vmem>>, vector<1x128xf32>
      tpu.vector_store %arg5[%swap3A_166, %swap3A_167], %broadcast_in_dim3A_165 {strides = array<i32>} : memref<8x128xf32, #tpu.memory_space<vmem>>, vector<1x128xf32>,
      %get3A_169 = arith.constant 0 : index
      %get3A_170 = arith.constant 0 : index
      %get3A_171 = vector.load %arg5[%get3A_169, %get3A_170] : memref<8x128xf32, #tpu.memory_space<vmem>>, vector<1x128xf32>
      %add3A_172 = arith.constant 2.550000e+02 : f32
      %add3A_173 = vector.broadcast %add3A_172 : f32 to vector<1x128xf32>
      %add3A_174 = arith.addf %get3A_171, %add3A_173 : vector<1x128xf32>
      %mul3A_175 = arith.constant 3.906250e-03 : f32
      %mul3A_176 = vector.broadcast %mul3A_175 : f32 to vector<1x128xf32>
      %mul3A_177 = arith.mulf %add3A_174, %mul3A_176 : vector<1x128xf32>
      %floor3A = math.floor %mul3A_177 : vector<1x128xf32>
      %iota3A_178 = tpu.iota {dimensions = array<i32: 0>} : vector<128x128xi32>
      %iota3A_179 = tpu.iota {dimensions = array<i32: 1>} : vector<128x128xi32>
      %le3A = arith.cmpi sle, %iota3A_178, %iota3A_179 : vector<128x128xi32>
      %convert_element_type3A_180 = arith.extui %le3A : vector<128x128xi1> to vector<128x128xi32>
      %convert_element_type3A_181 = arith.sitofp %convert_element_type3A_180 : vector<128x128xi32> to vector<128x128xf32>
      %dot_general3A_182 = arith.constant dense<0.000000e+00> : vector<1x128xf32>
      %dot_general3A_183 = tpu.matmul %floor3A, %convert_element_type3A_181, %dot_general3A_182 {dimension_numbers = #tpu.dot_dimension_numbers<[1], [0], [0], [1], [0, 0, 1, 1], [], []>, transpose_lhs_hint = false} : vector<1x128xf32>, vector<128x128xf32>, vector<1x128xf32> -> vector<1x128xf32>
      %sub3A_184 = arith.subf %dot_general3A_183, %floor3A : vector<1x128xf32>
      %mul3A_185 = arith.constant 2.560000e+02 : f32
      %mul3A_186 = vector.broadcast %mul3A_185 : f32 to vector<1x128xf32>
      %mul3A_187 = arith.mulf %sub3A_184, %mul3A_186 : vector<1x128xf32>
      %sub3A_188 = arith.subf %dot_general3A_183, %floor3A : vector<1x128xf32>
      %slice3A = vector.extract_strided_slice %dot_general3A_183 {offsets = [0, 7], sizes = [1, 1], strides = [1, 1]} : vector<1x128xf32> to vector<1x1xf32>
      %iota3A_189 = tpu.iota {dimensions = array<i32: 1>} : vector<1x128xi32>
      %convert_element_type3A_190 = arith.sitofp %iota3A_189 : vector<1x128xi32> to vector<1x128xf32>
      %broadcast_in_dim3A_191 = arith.constant 0.000000e+00 : f32
      %broadcast_in_dim3A_192 = vector.broadcast %broadcast_in_dim3A_191 : f32 to vector<1x128xf32>
      %slice3A_193 = vector.extract_strided_slice %dot_general3A_183 {offsets = [0, 0], sizes = [1, 1], strides = [1, 1]} : vector<1x128xf32> to vector<1x1xf32>
      %ge3A = vector.broadcast %slice3A_193 : vector<1x1xf32> to vector<1x128xf32>
      %ge3A_194 = arith.cmpf oge, %convert_element_type3A_190, %ge3A : vector<1x128xf32>
      %convert_element_type3A_195 = arith.extui %ge3A_194 : vector<1x128xi1> to vector<1x128xi32>
      %convert_element_type3A_196 = arith.sitofp %convert_element_type3A_195 : vector<1x128xi32> to vector<1x128xf32>
      %add3A_197 = arith.addf %broadcast_in_dim3A_192, %convert_element_type3A_196 : vector<1x128xf32>
      %slice3A_198 = vector.extract_strided_slice %dot_general3A_183 {offsets = [0, 1], sizes = [1, 1], strides = [1, 1]} : vector<1x128xf32> to vector<1x1xf32>
      %ge3A_199 = vector.broadcast %slice3A_198 : vector<1x1xf32> to vector<1x128xf32>
      %ge3A_200 = arith.cmpf oge, %convert_element_type3A_190, %ge3A_199 : vector<1x128xf32>
      %convert_element_type3A_201 = arith.extui %ge3A_200 : vector<1x128xi1> to vector<1x128xi32>
      %convert_element_type3A_202 = arith.sitofp %convert_element_type3A_201 : vector<1x128xi32> to vector<1x128xf32>
      %add3A_203 = arith.addf %add3A_197, %convert_element_type3A_202 : vector<1x128xf32>
      %slice3A_204 = vector.extract_strided_slice %dot_general3A_183 {offsets = [0, 2], sizes = [1, 1], strides = [1, 1]} : vector<1x128xf32> to vector<1x1xf32>
      %ge3A_205 = vector.broadcast %slice3A_204 : vector<1x1xf32> to vector<1x128xf32>
      %ge3A_206 = arith.cmpf oge, %convert_element_type3A_190, %ge3A_205 : vector<1x128xf32>
      %convert_element_type3A_207 = arith.extui %ge3A_206 : vector<1x128xi1> to vector<1x128xi32>
      %convert_element_type3A_208 = arith.sitofp %convert_element_type3A_207 : vector<1x128xi32> to vector<1x128xf32>
      %add3A_209 = arith.addf %add3A_203, %convert_element_type3A_208 : vector<1x128xf32>
      %slice3A_210 = vector.extract_strided_slice %dot_general3A_183 {offsets = [0, 3], sizes = [1, 1], strides = [1, 1]} : vector<1x128xf32> to vector<1x1xf32>
      %ge3A_211 = vector.broadcast %slice3A_210 : vector<1x1xf32> to vector<1x128xf32>
      %ge3A_212 = arith.cmpf oge, %convert_element_type3A_190, %ge3A_211 : vector<1x128xf32>
      %convert_element_type3A_213 = arith.extui %ge3A_212 : vector<1x128xi1> to vector<1x128xi32>
      %convert_element_type3A_214 = arith.sitofp %convert_element_type3A_213 : vector<1x128xi32> to vector<1x128xf32>
      %add3A_215 = arith.addf %add3A_209, %convert_element_type3A_214 : vector<1x128xf32>
      %slice3A_216 = vector.extract_strided_slice %dot_general3A_183 {offsets = [0, 4], sizes = [1, 1], strides = [1, 1]} : vector<1x128xf32> to vector<1x1xf32>
      %ge3A_217 = vector.broadcast %slice3A_216 : vector<1x1xf32> to vector<1x128xf32>
      %ge3A_218 = arith.cmpf oge, %convert_element_type3A_190, %ge3A_217 : vector<1x128xf32>
      %convert_element_type3A_219 = arith.extui %ge3A_218 : vector<1x128xi1> to vector<1x128xi32>
      %convert_element_type3A_220 = arith.sitofp %convert_element_type3A_219 : vector<1x128xi32> to vector<1x128xf32>
      %add3A_221 = arith.addf %add3A_215, %convert_element_type3A_220 : vector<1x128xf32>
      %slice3A_222 = vector.extract_strided_slice %dot_general3A_183 {offsets = [0, 5], sizes = [1, 1], strides = [1, 1]} : vector<1x128xf32> to vector<1x1xf32>
      %ge3A_223 = vector.broadcast %slice3A_222 : vector<1x1xf32> to vector<1x128xf32>
      %ge3A_224 = arith.cmpf oge, %convert_element_type3A_190, %ge3A_223 : vector<1x128xf32>
      %convert_element_type3A_225 = arith.extui %ge3A_224 : vector<1x128xi1> to vector<1x128xi32>
      %convert_element_type3A_226 = arith.sitofp %convert_element_type3A_225 : vector<1x128xi32> to vector<1x128xf32>
      %add3A_227 = arith.addf %add3A_221, %convert_element_type3A_226 : vector<1x128xf32>
      %slice3A_228 = vector.extract_strided_slice %dot_general3A_183 {offsets = [0, 6], sizes = [1, 1], strides = [1, 1]} : vector<1x128xf32> to vector<1x1xf32>
      %ge3A_229 = vector.broadcast %slice3A_228 : vector<1x1xf32> to vector<1x128xf32>
      %ge3A_230 = arith.cmpf oge, %convert_element_type3A_190, %ge3A_229 : vector<1x128xf32>
      %convert_element_type3A_231 = arith.extui %ge3A_230 : vector<1x128xi1> to vector<1x128xi32>
      %convert_element_type3A_232 = arith.sitofp %convert_element_type3A_231 : vector<1x128xi32> to vector<1x128xf32>
      %add3A_233 = arith.addf %add3A_227, %convert_element_type3A_232 : vector<1x128xf32>
      %slice3A_234 = vector.extract_strided_slice %dot_general3A_183 {offsets = [0, 7], sizes = [1, 1], strides = [1, 1]} : vector<1x128xf32> to vector<1x1xf32>
      %ge3A_235 = vector.broadcast %slice3A_234 : vector<1x1xf32> to vector<1x128xf32>
      %ge3A_236 = arith.cmpf oge, %convert_element_type3A_190, %ge3A_235 : vector<1x128xf32>
      %convert_element_type3A_237 = arith.extui %ge3A_236 : vector<1x128xi1> to vector<1x128xi32>
      %convert_element_type3A_238 = arith.sitofp %convert_element_type3A_237 : vector<1x128xi32> to vector<1x128xf32>
      %add3A_239 = arith.addf %add3A_233, %convert_element_type3A_238 : vector<1x128xf32>
      %broadcast_in_dim3A_240 = arith.constant 0.000000e+00 : f32
      %broadcast_in_dim3A_241 = vector.broadcast %broadcast_in_dim3A_240 : f32 to vector<1x128xf32>
      %broadcast_in_dim3A_242 = arith.constant 0.000000e+00 : f32
      %broadcast_in_dim3A_243 = vector.broadcast %broadcast_in_dim3A_242 : f32 to vector<1x128xf32>
      %eq3A_244 = arith.constant 0.000000e+00 : f32
      %eq3A_245 = vector.broadcast %eq3A_244 : f32 to vector<1x128xf32>
      %eq3A_246 = arith.cmpf oeq, %add3A_239, %eq3A_245 : vector<1x128xf32>
      %convert_element_type3A_247 = arith.extui %eq3A_246 : vector<1x128xi1> to vector<1x128xi32>
      %convert_element_type3A_248 = arith.sitofp %convert_element_type3A_247 : vector<1x128xi32> to vector<1x128xf32>
      %slice3A_249 = vector.extract_strided_slice %mul3A_187 {offsets = [0, 0], sizes = [1, 1], strides = [1, 1]} : vector<1x128xf32> to vector<1x1xf32>
      %mul3A_250 = vector.broadcast %slice3A_249 : vector<1x1xf32> to vector<1x128xf32>
      %mul3A_251 = arith.mulf %convert_element_type3A_248, %mul3A_250 : vector<1x128xf32>
      %add3A_252 = arith.addf %broadcast_in_dim3A_241, %mul3A_251 : vector<1x128xf32>
      %slice3A_253 = vector.extract_strided_slice %sub3A_188 {offsets = [0, 0], sizes = [1, 1], strides = [1, 1]} : vector<1x128xf32> to vector<1x1xf32>
      %mul3A_254 = vector.broadcast %slice3A_253 : vector<1x1xf32> to vector<1x128xf32>
      %mul3A_255 = arith.mulf %convert_element_type3A_248, %mul3A_254 : vector<1x128xf32>
      %add3A_256 = arith.addf %broadcast_in_dim3A_243, %mul3A_255 : vector<1x128xf32>
      %eq3A_257 = arith.constant 1.000000e+00 : f32
      %eq3A_258 = vector.broadcast %eq3A_257 : f32 to vector<1x128xf32>
      %eq3A_259 = arith.cmpf oeq, %add3A_239, %eq3A_258 : vector<1x128xf32>
      %convert_element_type3A_260 = arith.extui %eq3A_259 : vector<1x128xi1> to vector<1x128xi32>
      %convert_element_type3A_261 = arith.sitofp %convert_element_type3A_260 : vector<1x128xi32> to vector<1x128xf32>
      %slice3A_262 = vector.extract_strided_slice %mul3A_187 {offsets = [0, 1], sizes = [1, 1], strides = [1, 1]} : vector<1x128xf32> to vector<1x1xf32>
      %mul3A_263 = vector.broadcast %slice3A_262 : vector<1x1xf32> to vector<1x128xf32>
      %mul3A_264 = arith.mulf %convert_element_type3A_261, %mul3A_263 : vector<1x128xf32>
      %add3A_265 = arith.addf %add3A_252, %mul3A_264 : vector<1x128xf32>
      %slice3A_266 = vector.extract_strided_slice %sub3A_188 {offsets = [0, 1], sizes = [1, 1], strides = [1, 1]} : vector<1x128xf32> to vector<1x1xf32>
      %mul3A_267 = vector.broadcast %slice3A_266 : vector<1x1xf32> to vector<1x128xf32>
      %mul3A_268 = arith.mulf %convert_element_type3A_261, %mul3A_267 : vector<1x128xf32>
      %add3A_269 = arith.addf %add3A_256, %mul3A_268 : vector<1x128xf32>
      %eq3A_270 = arith.constant 2.000000e+00 : f32
      %eq3A_271 = vector.broadcast %eq3A_270 : f32 to vector<1x128xf32>
      %eq3A_272 = arith.cmpf oeq, %add3A_239, %eq3A_271 : vector<1x128xf32>
      %convert_element_type3A_273 = arith.extui %eq3A_272 : vector<1x128xi1> to vector<1x128xi32>
      %convert_element_type3A_274 = arith.sitofp %convert_element_type3A_273 : vector<1x128xi32> to vector<1x128xf32>
      %slice3A_275 = vector.extract_strided_slice %mul3A_187 {offsets = [0, 2], sizes = [1, 1], strides = [1, 1]} : vector<1x128xf32> to vector<1x1xf32>
      %mul3A_276 = vector.broadcast %slice3A_275 : vector<1x1xf32> to vector<1x128xf32>
      %mul3A_277 = arith.mulf %convert_element_type3A_274, %mul3A_276 : vector<1x128xf32>
      %add3A_278 = arith.addf %add3A_265, %mul3A_277 : vector<1x128xf32>
      %slice3A_279 = vector.extract_strided_slice %sub3A_188 {offsets = [0, 2], sizes = [1, 1], strides = [1, 1]} : vector<1x128xf32> to vector<1x1xf32>
      %mul3A_280 = vector.broadcast %slice3A_279 : vector<1x1xf32> to vector<1x128xf32>
      %mul3A_281 = arith.mulf %convert_element_type3A_274, %mul3A_280 : vector<1x128xf32>
      %add3A_282 = arith.addf %add3A_269, %mul3A_281 : vector<1x128xf32>
      %eq3A_283 = arith.constant 3.000000e+00 : f32
      %eq3A_284 = vector.broadcast %eq3A_283 : f32 to vector<1x128xf32>
      %eq3A_285 = arith.cmpf oeq, %add3A_239, %eq3A_284 : vector<1x128xf32>
      %convert_element_type3A_286 = arith.extui %eq3A_285 : vector<1x128xi1> to vector<1x128xi32>
      %convert_element_type3A_287 = arith.sitofp %convert_element_type3A_286 : vector<1x128xi32> to vector<1x128xf32>
      %slice3A_288 = vector.extract_strided_slice %mul3A_187 {offsets = [0, 3], sizes = [1, 1], strides = [1, 1]} : vector<1x128xf32> to vector<1x1xf32>
      %mul3A_289 = vector.broadcast %slice3A_288 : vector<1x1xf32> to vector<1x128xf32>
      %mul3A_290 = arith.mulf %convert_element_type3A_287, %mul3A_289 : vector<1x128xf32>
      %add3A_291 = arith.addf %add3A_278, %mul3A_290 : vector<1x128xf32>
      %slice3A_292 = vector.extract_strided_slice %sub3A_188 {offsets = [0, 3], sizes = [1, 1], strides = [1, 1]} : vector<1x128xf32> to vector<1x1xf32>
      %mul3A_293 = vector.broadcast %slice3A_292 : vector<1x1xf32> to vector<1x128xf32>
      %mul3A_294 = arith.mulf %convert_element_type3A_287, %mul3A_293 : vector<1x128xf32>
      %add3A_295 = arith.addf %add3A_282, %mul3A_294 : vector<1x128xf32>
      %eq3A_296 = arith.constant 4.000000e+00 : f32
      %eq3A_297 = vector.broadcast %eq3A_296 : f32 to vector<1x128xf32>
      %eq3A_298 = arith.cmpf oeq, %add3A_239, %eq3A_297 : vector<1x128xf32>
      %convert_element_type3A_299 = arith.extui %eq3A_298 : vector<1x128xi1> to vector<1x128xi32>
      %convert_element_type3A_300 = arith.sitofp %convert_element_type3A_299 : vector<1x128xi32> to vector<1x128xf32>
      %slice3A_301 = vector.extract_strided_slice %mul3A_187 {offsets = [0, 4], sizes = [1, 1], strides = [1, 1]} : vector<1x128xf32> to vector<1x1xf32>
      %mul3A_302 = vector.broadcast %slice3A_301 : vector<1x1xf32> to vector<1x128xf32>
      %mul3A_303 = arith.mulf %convert_element_type3A_300, %mul3A_302 : vector<1x128xf32>
      %add3A_304 = arith.addf %add3A_291, %mul3A_303 : vector<1x128xf32>
      %slice3A_305 = vector.extract_strided_slice %sub3A_188 {offsets = [0, 4], sizes = [1, 1], strides = [1, 1]} : vector<1x128xf32> to vector<1x1xf32>
      %mul3A_306 = vector.broadcast %slice3A_305 : vector<1x1xf32> to vector<1x128xf32>
      %mul3A_307 = arith.mulf %convert_element_type3A_300, %mul3A_306 : vector<1x128xf32>
      %add3A_308 = arith.addf %add3A_295, %mul3A_307 : vector<1x128xf32>
      %eq3A_309 = arith.constant 5.000000e+00 : f32
      %eq3A_310 = vector.broadcast %eq3A_309 : f32 to vector<1x128xf32>
      %eq3A_311 = arith.cmpf oeq, %add3A_239, %eq3A_310 : vector<1x128xf32>
      %convert_element_type3A_312 = arith.extui %eq3A_311 : vector<1x128xi1> to vector<1x128xi32>
      %convert_element_type3A_313 = arith.sitofp %convert_element_type3A_312 : vector<1x128xi32> to vector<1x128xf32>
      %slice3A_314 = vector.extract_strided_slice %mul3A_187 {offsets = [0, 5], sizes = [1, 1], strides = [1, 1]} : vector<1x128xf32> to vector<1x1xf32>
      %mul3A_315 = vector.broadcast %slice3A_314 : vector<1x1xf32> to vector<1x128xf32>
      %mul3A_316 = arith.mulf %convert_element_type3A_313, %mul3A_315 : vector<1x128xf32>
      %add3A_317 = arith.addf %add3A_304, %mul3A_316 : vector<1x128xf32>
      %slice3A_318 = vector.extract_strided_slice %sub3A_188 {offsets = [0, 5], sizes = [1, 1], strides = [1, 1]} : vector<1x128xf32> to vector<1x1xf32>
      %mul3A_319 = vector.broadcast %slice3A_318 : vector<1x1xf32> to vector<1x128xf32>
      %mul3A_320 = arith.mulf %convert_element_type3A_313, %mul3A_319 : vector<1x128xf32>
      %add3A_321 = arith.addf %add3A_308, %mul3A_320 : vector<1x128xf32>
      %eq3A_322 = arith.constant 6.000000e+00 : f32
      %eq3A_323 = vector.broadcast %eq3A_322 : f32 to vector<1x128xf32>
      %eq3A_324 = arith.cmpf oeq, %add3A_239, %eq3A_323 : vector<1x128xf32>
      %convert_element_type3A_325 = arith.extui %eq3A_324 : vector<1x128xi1> to vector<1x128xi32>
      %convert_element_type3A_326 = arith.sitofp %convert_element_type3A_325 : vector<1x128xi32> to vector<1x128xf32>
      %slice3A_327 = vector.extract_strided_slice %mul3A_187 {offsets = [0, 6], sizes = [1, 1], strides = [1, 1]} : vector<1x128xf32> to vector<1x1xf32>
      %mul3A_328 = vector.broadcast %slice3A_327 : vector<1x1xf32> to vector<1x128xf32>
      %mul3A_329 = arith.mulf %convert_element_type3A_326, %mul3A_328 : vector<1x128xf32>
      %add3A_330 = arith.addf %add3A_317, %mul3A_329 : vector<1x128xf32>
      %slice3A_331 = vector.extract_strided_slice %sub3A_188 {offsets = [0, 6], sizes = [1, 1], strides = [1, 1]} : vector<1x128xf32> to vector<1x1xf32>
      %mul3A_332 = vector.broadcast %slice3A_331 : vector<1x1xf32> to vector<1x128xf32>
      %mul3A_333 = arith.mulf %convert_element_type3A_326, %mul3A_332 : vector<1x128xf32>
      %add3A_334 = arith.addf %add3A_321, %mul3A_333 : vector<1x128xf32>
      %eq3A_335 = arith.constant 7.000000e+00 : f32
      %eq3A_336 = vector.broadcast %eq3A_335 : f32 to vector<1x128xf32>
      %eq3A_337 = arith.cmpf oeq, %add3A_239, %eq3A_336 : vector<1x128xf32>
      %convert_element_type3A_338 = arith.extui %eq3A_337 : vector<1x128xi1> to vector<1x128xi32>
      %convert_element_type3A_339 = arith.sitofp %convert_element_type3A_338 : vector<1x128xi32> to vector<1x128xf32>
      %slice3A_340 = vector.extract_strided_slice %mul3A_187 {offsets = [0, 7], sizes = [1, 1], strides = [1, 1]} : vector<1x128xf32> to vector<1x1xf32>
      %mul3A_341 = vector.broadcast %slice3A_340 : vector<1x1xf32> to vector<1x128xf32>
      %mul3A_342 = arith.mulf %convert_element_type3A_339, %mul3A_341 : vector<1x128xf32>
      %add3A_343 = arith.addf %add3A_330, %mul3A_342 : vector<1x128xf32>
      %slice3A_344 = vector.extract_strided_slice %sub3A_188 {offsets = [0, 7], sizes = [1, 1], strides = [1, 1]} : vector<1x128xf32> to vector<1x1xf32>
      %mul3A_345 = vector.broadcast %slice3A_344 : vector<1x1xf32> to vector<1x128xf32>
      %mul3A_346 = arith.mulf %convert_element_type3A_339, %mul3A_345 : vector<1x128xf32>
      %add3A_347 = arith.addf %add3A_334, %mul3A_346 : vector<1x128xf32>
      %sub3A_348 = arith.subf %convert_element_type3A_190, %add3A_347 : vector<1x128xf32>
      %lt3A_349 = vector.broadcast %slice3A : vector<1x1xf32> to vector<1x128xf32>
      %lt3A_350 = arith.cmpf olt, %convert_element_type3A_190, %lt3A_349 : vector<1x128xf32>
      %jit3A_351 = arith.constant 0.000000e+00 : f32
      %broadcast_in_dim3A_352 = vector.broadcast %jit3A_351 : f32 to vector<1x128xf32>
      %select_n3A_353 = arith.select %lt3A_350, %add3A_239, %broadcast_in_dim3A_352 : vector<1x128xi1>, vector<1x128xf32>
      %convert_element_type3A_354 = arith.fptosi %select_n3A_353 : vector<1x128xf32> to vector<1x128xi32>
      %swap3A_355 = arith.constant 0 : index
      %swap3A_356 = arith.constant 0 : index
      %swap3A_357 = vector.load %arg6[%swap3A_355, %swap3A_356] : memref<8x128xi32, #tpu.memory_space<vmem>>, vector<1x128xi32>
      tpu.vector_store %arg6[%swap3A_355, %swap3A_356], %convert_element_type3A_354 {strides = array<i32>} : memref<8x128xi32, #tpu.memory_space<vmem>>, vector<1x128xi32>,
      %mul3A_358 = arith.constant 3.906250e-03 : f32
      %mul3A_359 = vector.broadcast %mul3A_358 : f32 to vector<1x128xf32>
      %mul3A_360 = arith.mulf %add3A_343, %mul3A_359 : vector<1x128xf32>
      %add3A_361 = arith.addf %mul3A_360, %sub3A_348 : vector<1x128xf32>
      %jit3A_362 = arith.constant 2.300000e+01 : f32
      %broadcast_in_dim3A_363 = vector.broadcast %jit3A_362 : f32 to vector<1x128xf32>
      %select_n3A_364 = arith.select %lt3A_350, %add3A_361, %broadcast_in_dim3A_363 : vector<1x128xi1>, vector<1x128xf32>
      %convert_element_type3A_365 = arith.fptosi %select_n3A_364 : vector<1x128xf32> to vector<1x128xi32>
      %swap3A_366 = arith.constant 1 : index
      %swap3A_367 = arith.constant 0 : index
      %swap3A_368 = vector.load %arg6[%swap3A_366, %swap3A_367] : memref<8x128xi32, #tpu.memory_space<vmem>>, vector<1x128xi32>
      tpu.vector_store %arg6[%swap3A_366, %swap3A_367], %convert_element_type3A_365 {strides = array<i32>} : memref<8x128xi32, #tpu.memory_space<vmem>>, vector<1x128xi32>,
      %convert_element_type3A_369 = arith.extui %lt3A_350 : vector<1x128xi1> to vector<1x128xi32>
      %swap3A_370 = arith.constant 2 : index
      %swap3A_371 = arith.constant 0 : index
      %swap3A_372 = vector.load %arg6[%swap3A_370, %swap3A_371] : memref<8x128xi32, #tpu.memory_space<vmem>>, vector<1x128xi32>
      tpu.vector_store %arg6[%swap3A_370, %swap3A_371], %convert_element_type3A_369 {strides = array<i32>} : memref<8x128xi32, #tpu.memory_space<vmem>>, vector<1x128xi32>,
      %convert_element_type3A_373 = arith.fptosi %mul3A_187 : vector<1x128xf32> to vector<1x128xi32>
      %swap3A_374 = arith.constant 3 : index
      %swap3A_375 = arith.constant 0 : index
      %swap3A_376 = vector.load %arg6[%swap3A_374, %swap3A_375] : memref<8x128xi32, #tpu.memory_space<vmem>>, vector<1x128xi32>
      tpu.vector_store %arg6[%swap3A_374, %swap3A_375], %convert_element_type3A_373 {strides = array<i32>} : memref<8x128xi32, #tpu.memory_space<vmem>>, vector<1x128xi32>,
    } else {
    }
    return
  }
  func.func @transform_0(%arg0: i32) -> (i32, i32) {
    %c0_i32 = arith.constant 0 : i32
    %c0_i32_0 = arith.constant 0 : i32
    return %arg0, %c0_i32 : i32, i32
  }
  func.func @transform_1(%arg0: i32) -> (i32, i32) {
    %c0_i32 = arith.constant 0 : i32
    %c0_i32_0 = arith.constant 0 : i32
    %c0_i32_1 = arith.constant 0 : i32
    return %c0_i32, %c0_i32_0 : i32, i32
  }
  func.func @transform_2(%arg0: i32) -> (i32, i32) {
    %c0_i32 = arith.constant 0 : i32
    %c0_i32_0 = arith.constant 0 : i32
    return %arg0, %c0_i32 : i32, i32
  }
  func.func @transform_3(%arg0: i32) -> (i32, i32) {
    %c0_i32 = arith.constant 0 : i32
    %c0_i32_0 = arith.constant 0 : i32
    return %arg0, %c0_i32 : i32, i32
  }
  func.func @transform_4(%arg0: i32) -> (i32, i32) {
    %c0_i32 = arith.constant 0 : i32
    %c0_i32_0 = arith.constant 0 : i32
    %c0_i32_1 = arith.constant 0 : i32
    return %c0_i32, %c0_i32_0 : i32, i32
  }
  func.func @transform_5(%arg0: i32) -> (i32, i32) {
    %c0_i32 = arith.constant 0 : i32
    %c0_i32_0 = arith.constant 0 : i32
    %c0_i32_1 = arith.constant 0 : i32
    return %c0_i32, %c0_i32_0 : i32, i32
  }
}

module attributes {stable_mosaic.version = 14 : i64} {
  func.func @_ffn_body(%arg0: i32, %arg1: i32, %arg2: memref<23xi32, #tpu.memory_space<smem>>, %arg3: memref<23xi32, #tpu.memory_space<smem>>, %arg4: memref<23xi32, #tpu.memory_space<smem>>, %arg5: memref<256x1024xf32, #tpu.memory_space<vmem>>, %arg6: memref<1024x1024xf32, #tpu.memory_space<vmem>>, %arg7: memref<1x1x1024xf32, #tpu.memory_space<vmem>>, %arg8: memref<1024x1024xf32, #tpu.memory_space<vmem>>, %arg9: memref<1x1x1024xf32, #tpu.memory_space<vmem>>, %arg10: memref<256x1024xf32, #tpu.memory_space<vmem>>) attributes {dimension_semantics = [#tpu.dimension_semantics<arbitrary>, #tpu.dimension_semantics<arbitrary>], iteration_bounds = array<i64: 23, 2>, scalar_prefetch = 3 : i64, scratch_operands = 0 : i64, tpu.core_type = #tpu.core_type<tc>, window_params = [{transform_indices = @transform_0, window_bounds = array<i64: 256, 1024>}, {transform_indices = @transform_1, window_bounds = array<i64: 1024, 1024>}, {transform_indices = @transform_2, window_bounds = array<i64: 1, 1, 1024>}, {transform_indices = @transform_3, window_bounds = array<i64: 1024, 1024>}, {transform_indices = @transform_4, window_bounds = array<i64: 1, 1, 1024>}, {transform_indices = @transform_5, window_bounds = array<i64: 256, 1024>}]} {
    %get3A = arith.index_cast %arg0 : i32 to index
    %get3A_0 = memref.load %arg4[%get3A] : memref<23xi32, #tpu.memory_space<smem>>
    %gt3A = arith.constant 0 : i32
    %gt3A_1 = arith.cmpi sgt, %get3A_0, %gt3A : i32
    %convert_element_type3A = arith.extui %gt3A_1 : i1 to i32
    %cond3A = arith.constant 0 : i32
    %cond3A_2 = arith.cmpi ne, %convert_element_type3A, %cond3A : i32
    scf.if %cond3A_2 {
      %get3A_3 = arith.constant 0 : index
      %get3A_4 = arith.constant 0 : index
      %get3A_5 = vector.load %arg5[%get3A_3, %get3A_4] : memref<256x1024xf32, #tpu.memory_space<vmem>>, vector<256x1024xf32>
      %get3A_6 = arith.constant 0 : index
      %get3A_7 = arith.constant 0 : index
      %get3A_8 = vector.load %arg6[%get3A_6, %get3A_7] : memref<1024x1024xf32, #tpu.memory_space<vmem>>, vector<1024x1024xf32>
      %dot_general3A = arith.constant dense<0.000000e+00> : vector<256x1024xf32>
      %dot_general3A_9 = tpu.matmul %get3A_5, %get3A_8, %dot_general3A {dimension_numbers = #tpu.dot_dimension_numbers<[1], [0], [0], [1], [0, 0, 1, 1], [], []>, transpose_lhs_hint = false} : vector<256x1024xf32>, vector<1024x1024xf32>, vector<256x1024xf32> -> vector<256x1024xf32>
      %get3A_10 = arith.constant 0 : index
      %get3A_11 = arith.constant 0 : index
      %get3A_12 = arith.constant 0 : index
      %get3A_13 = vector.load %arg7[%get3A_10, %get3A_11, %get3A_12] : memref<1x1x1024xf32, #tpu.memory_space<vmem>>, vector<1x1x1024xf32>
      %get3A_14 = vector.shape_cast %get3A_13 : vector<1x1x1024xf32> to vector<1x1024xf32>
      %add3A = vector.broadcast %get3A_14 : vector<1x1024xf32> to vector<256x1024xf32>
      %add3A_15 = arith.addf %dot_general3A_9, %add3A : vector<256x1024xf32>
      %max3A = arith.constant 0.000000e+00 : f32
      %max3A_16 = vector.broadcast %max3A : f32 to vector<256x1024xf32>
      %max3A_17 = arith.maximumf %add3A_15, %max3A_16 : vector<256x1024xf32>
      %get3A_18 = arith.constant 0 : index
      %get3A_19 = arith.constant 0 : index
      %get3A_20 = vector.load %arg8[%get3A_18, %get3A_19] : memref<1024x1024xf32, #tpu.memory_space<vmem>>, vector<1024x1024xf32>
      %dot_general3A_21 = arith.constant dense<0.000000e+00> : vector<256x1024xf32>
      %dot_general3A_22 = tpu.matmul %max3A_17, %get3A_20, %dot_general3A_21 {dimension_numbers = #tpu.dot_dimension_numbers<[1], [0], [0], [1], [0, 0, 1, 1], [], []>, transpose_lhs_hint = false} : vector<256x1024xf32>, vector<1024x1024xf32>, vector<256x1024xf32> -> vector<256x1024xf32>
      %eq3A = arith.constant 0 : i32
      %eq3A_23 = arith.cmpi eq, %arg1, %eq3A : i32
      %convert_element_type3A_24 = arith.extui %eq3A_23 : i1 to i32
      %cond3A_25 = arith.constant 0 : i32
      %cond3A_26 = arith.cmpi ne, %convert_element_type3A_24, %cond3A_25 : i32
      scf.if %cond3A_26 {
        %get3A_31 = arith.constant 0 : index
        %get3A_32 = arith.constant 0 : index
        %get3A_33 = arith.constant 0 : index
        %get3A_34 = vector.load %arg9[%get3A_31, %get3A_32, %get3A_33] : memref<1x1x1024xf32, #tpu.memory_space<vmem>>, vector<1x1x1024xf32>
        %get3A_35 = vector.shape_cast %get3A_34 : vector<1x1x1024xf32> to vector<1x1024xf32>
        %add3A_36 = vector.broadcast %get3A_35 : vector<1x1024xf32> to vector<256x1024xf32>
        %add3A_37 = arith.addf %dot_general3A_22, %add3A_36 : vector<256x1024xf32>
        %swap3A = arith.constant 0 : index
        %swap3A_38 = arith.constant 0 : index
        %swap3A_39 = vector.load %arg10[%swap3A, %swap3A_38] : memref<256x1024xf32, #tpu.memory_space<vmem>>, vector<256x1024xf32>
        tpu.vector_store %arg10[%swap3A, %swap3A_38], %add3A_37 {strides = array<i32>} : memref<256x1024xf32, #tpu.memory_space<vmem>>, vector<256x1024xf32>,
      } else {
      }
      %ne3A = arith.constant 0 : i32
      %ne3A_27 = arith.cmpi ne, %arg1, %ne3A : i32
      %convert_element_type3A_28 = arith.extui %ne3A_27 : i1 to i32
      %cond3A_29 = arith.constant 0 : i32
      %cond3A_30 = arith.cmpi ne, %convert_element_type3A_28, %cond3A_29 : i32
      scf.if %cond3A_30 {
        %get3A_31 = arith.constant 0 : index
        %get3A_32 = arith.constant 0 : index
        %get3A_33 = vector.load %arg10[%get3A_31, %get3A_32] : memref<256x1024xf32, #tpu.memory_space<vmem>>, vector<256x1024xf32>
        %add3A_34 = arith.addf %get3A_33, %dot_general3A_22 : vector<256x1024xf32>
        %swap3A = arith.constant 0 : index
        %swap3A_35 = arith.constant 0 : index
        %swap3A_36 = vector.load %arg10[%swap3A, %swap3A_35] : memref<256x1024xf32, #tpu.memory_space<vmem>>, vector<256x1024xf32>
        tpu.vector_store %arg10[%swap3A, %swap3A_35], %add3A_34 {strides = array<i32>} : memref<256x1024xf32, #tpu.memory_space<vmem>>, vector<256x1024xf32>,
      } else {
      }
    } else {
    }
    return
  }
  func.func @transform_0(%arg0: i32, %arg1: i32, %arg2: memref<23xi32, #tpu.memory_space<smem>>, %arg3: memref<23xi32, #tpu.memory_space<smem>>, %arg4: memref<23xi32, #tpu.memory_space<smem>>) -> (i32, i32) {
    %get3A = arith.index_cast %arg0 : i32 to index
    %get3A_0 = memref.load %arg3[%get3A] : memref<23xi32, #tpu.memory_space<smem>>
    %c0_i32 = arith.constant 0 : i32
    %c0_i32_1 = arith.constant 0 : i32
    return %get3A_0, %c0_i32 : i32, i32
  }
  func.func @transform_1(%arg0: i32, %arg1: i32, %arg2: memref<23xi32, #tpu.memory_space<smem>>, %arg3: memref<23xi32, #tpu.memory_space<smem>>, %arg4: memref<23xi32, #tpu.memory_space<smem>>) -> (i32, i32) {
    %get3A = arith.index_cast %arg0 : i32 to index
    %get3A_0 = memref.load %arg2[%get3A] : memref<23xi32, #tpu.memory_space<smem>>
    %c0_i32 = arith.constant 0 : i32
    return %get3A_0, %arg1 : i32, i32
  }
  func.func @transform_2(%arg0: i32, %arg1: i32, %arg2: memref<23xi32, #tpu.memory_space<smem>>, %arg3: memref<23xi32, #tpu.memory_space<smem>>, %arg4: memref<23xi32, #tpu.memory_space<smem>>) -> (i32, i32, i32) {
    %get3A = arith.index_cast %arg0 : i32 to index
    %get3A_0 = memref.load %arg2[%get3A] : memref<23xi32, #tpu.memory_space<smem>>
    %c0_i32 = arith.constant 0 : i32
    %c0_i32_1 = arith.constant 0 : i32
    return %get3A_0, %c0_i32, %arg1 : i32, i32, i32
  }
  func.func @transform_3(%arg0: i32, %arg1: i32, %arg2: memref<23xi32, #tpu.memory_space<smem>>, %arg3: memref<23xi32, #tpu.memory_space<smem>>, %arg4: memref<23xi32, #tpu.memory_space<smem>>) -> (i32, i32) {
    %get3A = arith.index_cast %arg0 : i32 to index
    %get3A_0 = memref.load %arg2[%get3A] : memref<23xi32, #tpu.memory_space<smem>>
    %mul3A = arith.constant 2 : i32
    %mul3A_1 = arith.muli %get3A_0, %mul3A : i32
    %add3A = arith.addi %mul3A_1, %arg1 : i32
    %c0_i32 = arith.constant 0 : i32
    %c0_i32_2 = arith.constant 0 : i32
    return %add3A, %c0_i32 : i32, i32
  }
  func.func @transform_4(%arg0: i32, %arg1: i32, %arg2: memref<23xi32, #tpu.memory_space<smem>>, %arg3: memref<23xi32, #tpu.memory_space<smem>>, %arg4: memref<23xi32, #tpu.memory_space<smem>>) -> (i32, i32, i32) {
    %get3A = arith.index_cast %arg0 : i32 to index
    %get3A_0 = memref.load %arg2[%get3A] : memref<23xi32, #tpu.memory_space<smem>>
    %c0_i32 = arith.constant 0 : i32
    %c0_i32_1 = arith.constant 0 : i32
    %c0_i32_2 = arith.constant 0 : i32
    return %get3A_0, %c0_i32, %c0_i32_1 : i32, i32, i32
  }
  func.func @transform_5(%arg0: i32, %arg1: i32, %arg2: memref<23xi32, #tpu.memory_space<smem>>, %arg3: memref<23xi32, #tpu.memory_space<smem>>, %arg4: memref<23xi32, #tpu.memory_space<smem>>) -> (i32, i32) {
    %get3A = arith.index_cast %arg0 : i32 to index
    %get3A_0 = memref.load %arg3[%get3A] : memref<23xi32, #tpu.memory_space<smem>>
    %c0_i32 = arith.constant 0 : i32
    %c0_i32_1 = arith.constant 0 : i32
    return %get3A_0, %c0_i32 : i32, i32
  }
}

module attributes {stable_mosaic.version = 14 : i64} {
  func.func @_combine_body(%arg0: i32, %arg1: memref<256x1024xf32, #tpu.memory_space<vmem>>, %arg2: memref<256x1024xf32, #tpu.memory_space<vmem>>, %arg3: memref<256x128xf32, #tpu.memory_space<vmem>>, %arg4: memref<256x1024xf32, #tpu.memory_space<vmem>>) attributes {dimension_semantics = [#tpu.dimension_semantics<arbitrary>], iteration_bounds = array<i64: 8>, scalar_prefetch = 0 : i64, scratch_operands = 0 : i64, tpu.core_type = #tpu.core_type<tc>, window_params = [{transform_indices = @transform_0, window_bounds = array<i64: 256, 1024>}, {transform_indices = @transform_1, window_bounds = array<i64: 256, 1024>}, {transform_indices = @transform_2, window_bounds = array<i64: 256, 128>}, {transform_indices = @transform_3, window_bounds = array<i64: 256, 1024>}]} {
    %iota3A = tpu.iota {dimensions = array<i32: 1>} : vector<256x128xi32>
    %get3A = arith.constant 0 : index
    %get3A_0 = arith.constant 0 : index
    %get3A_1 = vector.load %arg3[%get3A, %get3A_0] : memref<256x128xf32, #tpu.memory_space<vmem>>, vector<256x128xf32>
    %eq3A = arith.constant 0 : i32
    %eq3A_2 = vector.broadcast %eq3A : i32 to vector<256x128xi32>
    %eq3A_3 = arith.cmpi eq, %iota3A, %eq3A_2 : vector<256x128xi32>
    %convert_element_type3A = arith.extui %eq3A_3 : vector<256x128xi1> to vector<256x128xi32>
    %convert_element_type3A_4 = arith.sitofp %convert_element_type3A : vector<256x128xi32> to vector<256x128xf32>
    %mul3A = arith.mulf %get3A_1, %convert_element_type3A_4 : vector<256x128xf32>
    %reduce_sum3A = arith.constant dense<0.000000e+00> : vector<256xf32>
    %reduce_sum3A_5 = vector.multi_reduction <add>, %mul3A, %reduce_sum3A [1] : vector<256x128xf32> to vector<256xf32>
    %broadcast_in_dim3A = vector.shape_cast %reduce_sum3A_5 : vector<256xf32> to vector<256x1xf32>
    %eq3A_6 = arith.constant 1 : i32
    %eq3A_7 = vector.broadcast %eq3A_6 : i32 to vector<256x128xi32>
    %eq3A_8 = arith.cmpi eq, %iota3A, %eq3A_7 : vector<256x128xi32>
    %convert_element_type3A_9 = arith.extui %eq3A_8 : vector<256x128xi1> to vector<256x128xi32>
    %convert_element_type3A_10 = arith.sitofp %convert_element_type3A_9 : vector<256x128xi32> to vector<256x128xf32>
    %mul3A_11 = arith.mulf %get3A_1, %convert_element_type3A_10 : vector<256x128xf32>
    %reduce_sum3A_12 = arith.constant dense<0.000000e+00> : vector<256xf32>
    %reduce_sum3A_13 = vector.multi_reduction <add>, %mul3A_11, %reduce_sum3A_12 [1] : vector<256x128xf32> to vector<256xf32>
    %broadcast_in_dim3A_14 = vector.shape_cast %reduce_sum3A_13 : vector<256xf32> to vector<256x1xf32>
    %get3A_15 = arith.constant 0 : index
    %get3A_16 = arith.constant 0 : index
    %get3A_17 = vector.load %arg1[%get3A_15, %get3A_16] : memref<256x1024xf32, #tpu.memory_space<vmem>>, vector<256x1024xf32>
    %mul3A_18 = vector.broadcast %broadcast_in_dim3A : vector<256x1xf32> to vector<256x1024xf32>
    %mul3A_19 = arith.mulf %get3A_17, %mul3A_18 : vector<256x1024xf32>
    %get3A_20 = arith.constant 0 : index
    %get3A_21 = arith.constant 0 : index
    %get3A_22 = vector.load %arg2[%get3A_20, %get3A_21] : memref<256x1024xf32, #tpu.memory_space<vmem>>, vector<256x1024xf32>
    %mul3A_23 = vector.broadcast %broadcast_in_dim3A_14 : vector<256x1xf32> to vector<256x1024xf32>
    %mul3A_24 = arith.mulf %get3A_22, %mul3A_23 : vector<256x1024xf32>
    %add3A = arith.addf %mul3A_19, %mul3A_24 : vector<256x1024xf32>
    %swap3A = arith.constant 0 : index
    %swap3A_25 = arith.constant 0 : index
    %swap3A_26 = vector.load %arg4[%swap3A, %swap3A_25] : memref<256x1024xf32, #tpu.memory_space<vmem>>, vector<256x1024xf32>
    tpu.vector_store %arg4[%swap3A, %swap3A_25], %add3A {strides = array<i32>} : memref<256x1024xf32, #tpu.memory_space<vmem>>, vector<256x1024xf32>,
    return
  }
  func.func @transform_0(%arg0: i32) -> (i32, i32) {
    %c0_i32 = arith.constant 0 : i32
    %c0_i32_0 = arith.constant 0 : i32
    return %arg0, %c0_i32 : i32, i32
  }
  func.func @transform_1(%arg0: i32) -> (i32, i32) {
    %c0_i32 = arith.constant 0 : i32
    %c0_i32_0 = arith.constant 0 : i32
    return %arg0, %c0_i32 : i32, i32
  }
  func.func @transform_2(%arg0: i32) -> (i32, i32) {
    %c0_i32 = arith.constant 0 : i32
    %c0_i32_0 = arith.constant 0 : i32
    return %arg0, %c0_i32 : i32, i32
  }
  func.func @transform_3(%arg0: i32) -> (i32, i32) {
    %c0_i32 = arith.constant 0 : i32
    %c0_i32_0 = arith.constant 0 : i32
    return %arg0, %c0_i32 : i32, i32
  }
}

</mosaic_0001>

<sc_bundles>
// kernel: _moe.10.cloned.1.call-start
scs
__scs_entry_jumppad:
0x0: {  	(pc) =	sbr.rel $0x88, $3  }
0x1: {  	(tag) =	ssettag $0x0;
	lr =	simm.s32 $0x1  }
0x2: {  	[smem:$0x3F9B] =	sst lr;
	_ =	strace $0xD0000000  }
0x3: {  	_ = 	snop  }
0x4: {  	_ = 	snop  }
0x5: {  	_ = 	snop  }
0x6: {  	_ = 	snop  }
0x7: {  	_ = 	snop  }
__scs_overlays_trampoline_lowered:
0x8: {  	[smem:$0x3FAA] =	sst s0  }
0x9: {  	[smem:$0x3FAB] =	sst s1  }
0xa: {  	[smem:$0x3FAC] =	sst s2  }
0xb: {  	[smem:$0x3FAD] =	sst s3  }
0xc: {  	[smem:$0x3FAE] =	sst s4  }
0xd: {  	[smem:$0x3FAF] =	sst s5  }
0xe: {  	[smem:$0x3FB0] =	sst s6  }
0xf: {  	[smem:$0x3FB1] =	sst s7  }
0x10: {  	[smem:$0x3FB2] =	sst s8  }
0x11: {  	[smem:$0x3FB3] =	sst s9;
	s0 =	simm.s32 @!p0 $0x0  }
0x12: {  	s1 =	sld [smem:$0x3F99];
	s0 =	simm.s32 @p0 $0x1  }
0x13: {  	[smem:$0x3FB4] =	sst s0;
	s0 =	simm.s32 @!p1 $0x0  }
0x14: {  	s2 =	sld [smem:$0x3F98];
	s0 =	simm.s32 @p1 $0x1  }
0x15: {  	[smem:$0x3FB5] =	sst s0;
	s0 =	simm.s32 @!p2 $0x0  }
0x16: {  	s3 =	sld [smem:$0x3FDB];
	s0 =	simm.s32 @p2 $0x1  }
0x17: {  	s4 =	simm.s32 $0x1BF5;
	[smem:$0x3FB7] =	sst s0  }
0x18: {  	s0 =	sld [smem:$0x3F9A];
	_ =	swait.ge [sflag:s4], $0x0  }
0x19: {  	s7 =	sld [smem:$0x3F9B]  }
0x1a: {  	s8 =	sadd.s32 $0xFFFFE003, lr  }
0x1b: {  	s9 =	sadd.s32 $0xFFFFFEF7, lr;
	s5 =	simm.s32 $0xFFFFFFFF;
	p2 =	slt.u32 s8, $0xFFFFF086  }
0x1c: {  	p1 =	slt.u32 s9, $0xF7A;
	s5 =	simm.s32 @!p2 $0x0  }
0x1d: {  	s5 =	simm.s32 @p1 $0x1;
	p0 =	seq.s32 s7, s2  }
0x1e: {  	s7 =	smul.u32 @!p0 $0xF7A, s2;
	p2 =	seq.s32 @!p0 s5, $0x0  }
0x1f: {  	s9 =	smul.u32 $0xF7A, s1;
	s8 =	simm.s32 @!p0 $0x1BF5;
	p2 =	por !p2, p0  }
0x20: {  	[sflag:s8] =	ssyncset.s32 @!p0 $0xFFFFF086;
	s6 =	sadd.s32 @!p0 s3, s7;
	s7 =	simm.s32 @!p0 $0x108  }
0x21: {  	s3 =	sadd.s32 s3, s9;
	s6 =	sadd.s32 @!p0 $0x88, s6;
	s7 =	simm.s32 @p2 $0x1082  }
0x22: {  	[simem:s7], [sflag:s8] =	dma.local @!p0 [hbm:s6], $0xF7A  }
0x23: {  	s9 =	sor.u32 $0xD0000000, s2;
	s6 =	simm.s32 $0x108;
	_ =	swait.ge @!p0 [sflag:s8], $0x0  }
0x24: {  	s3 =	sadd.s32 $0x88, s3;
	s6 =	simm.s32 @!p1 $0x1082;
	[sflag:s4] =	ssyncset.s32 $0xFFFFF086  }
0x25: {  	[simem:s6], [sflag:s4] =	dma.local [hbm:s3], $0xF7A  }
0x26: {  	[smem:$0x3F9B] =	sst s1;
	(tag) =	ssettag s2;
	_ =	strace s9  }
0x27: {  	s1 =	sld [smem:$0x3FAB]  }
0x28: {  	s2 =	sld [smem:$0x3FAC]  }
0x29: {  	s4 =	sld [smem:$0x3FAE]  }
0x2a: {  	p0 =	seq.s32 s5, $0x0;
	s5 =	sld [smem:$0x3FAF]  }
0x2b: {  	s6 =	sld [smem:$0x3FB0]  }
0x2c: {  	s7 =	sld [smem:$0x3FB1]  }
0x2d: {  	s3 =	simm.s32 $0x108;
	s8 =	sld [smem:$0x3FB2]  }
0x2e: {  	s3 =	simm.s32 @!p0 $0x1082;
	s9 =	sld [smem:$0x3FB3]  }
0x2f: {  	lr =	sadd.s32 s0, s3;
	s0 =	sld [smem:$0x3FAA]  }
0x30: {  	s3 =	sld [smem:$0x3FAD]  }
0x31: {  	[smem:$0x3FB6] =	sst s10  }
0x32: {  	s10 =	sld [smem:$0x3FB4];
	_ =	sdelay $0x3  }
0x33: {  	p0 =	seq.s32 s10, $0x1;
	s10 =	sld [smem:$0x3FB6];
	_ =	sdelay $0x3  }
0x34: {  	[smem:$0x3FB6] =	sst s10  }
0x35: {  	s10 =	sld [smem:$0x3FB5];
	_ =	sdelay $0x3  }
0x36: {  	p1 =	seq.s32 s10, $0x1;
	s10 =	sld [smem:$0x3FB6];
	_ =	sdelay $0x3  }
0x37: {  	[smem:$0x3FB6] =	sst s10  }
0x38: {  	s10 =	sld [smem:$0x3FB7]  }
0x39: {  	_ = 	snop;
	(pc) =	sbr.ind lr, $3  }
0x3a: {  	_ = 	snop  }
0x3b: {  	_ = 	snop  }
0x3c: {  	p2 =	seq.s32 s10, $0x1;
	s10 =	sld [smem:$0x3FB6]  }
0x3d: {  	_ =	shalt  }
0x3e: {  	_ =	shalt  }
0x3f: {  	_ =	shalt  }
0x40: {  	_ =	shalt  }
0x41: {  	_ =	shalt  }
0x42: {  	_ =	shalt  }
0x43: {  	_ =	shalt  }
0x44: {  	_ =	shalt  }
0x45: {  	_ =	shalt  }
0x46: {  	_ =	shalt  }
0x47: {  	_ =	shalt  }
0x48: {  	_ =	shalt  }
0x49: {  	_ =	shalt  }
0x4a: {  	_ =	shalt  }
0x4b: {  	_ =	shalt  }
0x4c: {  	_ =	shalt  }
0x4d: {  	_ =	shalt  }
0x4e: {  	_ =	shalt  }
0x4f: {  	_ =	shalt  }
0x50: {  	_ =	shalt  }
0x51: {  	_ =	shalt  }
0x52: {  	_ =	shalt  }
0x53: {  	_ =	shalt  }
0x54: {  	_ =	shalt  }
0x55: {  	_ =	shalt  }
0x56: {  	_ =	shalt  }
0x57: {  	_ =	shalt  }
0x58: {  	_ =	shalt  }
0x59: {  	_ =	shalt  }
0x5a: {  	_ =	shalt  }
0x5b: {  	_ =	shalt  }
0x5c: {  	_ =	shalt  }
0x5d: {  	_ =	shalt  }
0x5e: {  	_ =	shalt  }
0x5f: {  	_ =	shalt  }
0x60: {  	_ =	shalt  }
0x61: {  	_ =	shalt  }
0x62: {  	_ =	shalt  }
0x63: {  	_ =	shalt  }
0x64: {  	_ =	shalt  }
0x65: {  	_ =	shalt  }
0x66: {  	_ =	shalt  }
0x67: {  	_ =	shalt  }
0x68: {  	_ =	shalt  }
0x69: {  	_ =	shalt  }
0x6a: {  	_ =	shalt  }
0x6b: {  	_ =	shalt  }
0x6c: {  	_ =	shalt  }
0x6d: {  	_ =	shalt  }
0x6e: {  	_ =	shalt  }
0x6f: {  	_ =	shalt  }
0x70: {  	_ =	shalt  }
0x71: {  	_ =	shalt  }
0x72: {  	_ =	shalt  }
0x73: {  	_ =	shalt  }
0x74: {  	_ =	shalt  }
0x75: {  	_ =	shalt  }
0x76: {  	_ =	shalt  }
0x77: {  	_ =	shalt  }
0x78: {  	_ =	shalt  }
0x79: {  	_ =	shalt  }
0x7a: {  	_ =	shalt  }
0x7b: {  	_ =	shalt  }
0x7c: {  	_ =	shalt  }
0x7d: {  	_ =	shalt  }
0x7e: {  	_ =	shalt  }
0x7f: {  	_ =	shalt  }
0x80: {  	_ =	shalt  }
0x81: {  	_ =	shalt  }
0x82: {  	_ =	shalt  }
0x83: {  	_ =	shalt  }
0x84: {  	_ =	shalt  }
0x85: {  	_ =	shalt  }
0x86: {  	_ =	shalt  }
0x87: {  	_ =	shalt  }
.Lfunc_end0:
.L_simem_size_0:
called_computation.1_lowered:
.L_overlay_start_0:
0x88: {  	s2 =	sld [smem:$0x3FD9]  }
0x89: {  	s3 =	sld [smem:$0x3FFE];
	_ =	sdelay $0x1  }
0x8a: {  	s1 =	srdreg.scid  }
0x8b: {  	s0 =	sand.u32 $0x1, s1  }
0x8c: {  	s14 =	sshll.u32 s0, $0xA;
	s2 =	sadd.s32 s3, s2  }
0x8d: {  	s2 =	sadd.s32 s2, s14  }
0x8e: {  	[smem:$0x3FC2] =	sst s2  }
0x8f: {  	_ = 	snop  }
0x90: {  	s2 =	sld [smem:$0x3FD0];
	_ =	sdelay $0x2  }
0x91: {  	s15 =	simm.s32 $0xA;
	s4 =	simm.s32 $0x10  }
0x92: {  	[smem:s4], [sflag:s15] =	dma.local [hbm:s2], $0x1  }
0x93: {  	_ =	swait.eq [sflag:s15], $0x1  }
0x94: {  	[sflag:s15] =	ssyncset.done $0x0  }
0x95: {  	[sflag:s15] =	ssyncadd.s32 $0xFFFFFFFF  }
0x96: {  	s16 =	sld [smem:$0x10];
	(tm) =	ssettm $0x1  }
0x97: {  	s17 =	sld [smem:$0x3FFB];
	_ =	sdelay $0x3  }
0x98: {  	_ =	strace s17  }
0x99: {  	s3 =	sld [smem:$0x3FFC];
	_ =	sdelay $0x3  }
0x9a: {  	_ =	strace s3  }
0x9b: {  	s3 =	sld [smem:$0x3FFD];
	_ =	sdelay $0x3  }
0x9c: {  	_ =	strace s3  }
0x9d: {  	_ =	strace $0x8FFFFFFF  }
0x9e: {  	s18 =	sld [smem:$0x3FDB];
	_ =	sdelay $0x1  }
0x9f: {  	s19 =	simm.s32 $_scs_section_size  }
0xa0: {  	s5 =	simm.s32 $_size__tile_overlayer_lowered;
	s6 =	simm.s32 $_tile_overlayer_lowered  }
0xa1: {  	s22 =	simm.s32 $0x1BFF;
	s21 =	sshll.u32 s6, $0x1;
	s3 =	sadd.s32 s19, s18  }
0xa2: {  	s7 =	simm.s32 $0x0;
	s20 =	sshll.u32 s5, $0x1;
	s5 =	sadd.s32 s21, s3  }
0xa3: {  	[timem:s7], [sflag:s22] =	dma.local [hbm:s5], s20  }
0xa4: {  	_ =	swait.ge [sflag:s22], s20  }
0xa5: {  	s4 =	ssub.s32 $0x0, s20;
	[sflag:s22] =	ssyncset.done $0x0  }
0xa6: {  	[sflag:s22] =	ssyncadd.s32 s4;
	_ =	sdelay $0x1  }
0xa7: {  	s23 =	simm.s32 $0x1B8B  }
0xa8: {  	_ =	swait.ge [sflag:s23], $0x1  }
0xa9: {  	[sflag:s23] =	ssyncset.done $0x0  }
0xaa: {  	s25 =	simm.s32 $0x1B8E;
	s24 =	sld [smem:$0x3FFE];
	[sflag:s23] =	ssyncadd.s32 $0xFFFFFFFF  }
0xab: {  	s26 =	simm.s32 $execute0_lowered;
	[smem:$0x3FD2] =	sst s25  }
0xac: {  	s5 =	sshll.u32 s26, $0x1;
	_ =	strace $0x80000049;
	[dreg:$0x1] =	wrdreg $0xFFFFFFFF  }
0xad: {  	s28 =	simm.s32 $_size_execute0_lowered;
	s3 =	sadd.s32 s3, s5;
	[dreg:$0x0] =	wrdreg $0x0  }
0xae: {  	s5 =	sshll.u32 s28, $0x1;
	[dreg:$0x2] =	wrdreg s3  }
0xaf: {  	[dreg:$0x3] =	wrdreg s5  }
0xb0: {  	[dreg:$0x4] =	wrdreg $0xC0  }
0xb1: {  	_ =	task [dreg:s7], $0x5FFFF  }
0xb2: {  	[dreg:$0x1] =	wrdreg $0xFFFFFFFF  }
0xb3: {  	[dreg:$0x0] =	wrdreg $0x60  }
0xb4: {  	[dreg:$0x2] =	wrdreg s24  }
0xb5: {  	[dreg:$0x3] =	wrdreg s16  }
0xb6: {  	[dreg:$0x4] =	wrdreg $0x9  }
0xb7: {  	_ =	task.clear_ibuf [dreg:s7], $0x5FFFF;
	_ =	strace $0x90000049  }
0xb8: {  	s29 =	simm.s32 $0x9;
	_ =	strace $0x8000004B  }
0xb9: {  	_ =	swait.ge [sflag:s29], $0x1  }
0xba: {  	[sflag:s29] =	ssyncadd.s32 $0xFFFFFFFF  }
0xbb: {  	_ =	strace $0x9000004B  }
0xbc: {  	_ =	sfence  }
0xbd: {  	s30 =	sld [smem:$0x0];
	_ =	sdelay $0x2  }
0xbe: {  	s31 =	sshll.u32 s1, $0xD;
	s1 =	sshrl.u32 s1, $0x2  }
0xbf: {  	s3 =	sand.u32 $0x4000, s31;
	s1 =	sadd.s32 s1, s30  }
0xc0: {  	s0 =	sor.u32 s3, s0;
	s1 =	sshll.u32 s1, $0x11  }
0xc1: {  	s0 =	sor.u32 s1, s0  }
0xc2: {  	s0 =	sadd.s32 $0x8F2B, s0  }
0xc3: {  	[sflag:s0] =	ssyncadd.remote.s32 $0x1  }
0xc4: {  	_ =	sfence.sel $0xFFFF  }
0xc5: {  	[dreg:$0x0] =	wrdreg $0xFFFFFFFF;
	(pc) =	sbr.abs _section_cstart, $3  }
0xc6: {  	[dreg:$0x1] =	wrdreg $0xFFFFFFFF  }
0xc7: {  	_ =	task.clear_ibuf [dreg:s7], $0x2FFFF;
	_ =	strace $0x9FFFFFFF  }
0xc8: {  	(tm) =	ssettm $0x7FFFFFFF  }
0xc9: {  	_ =	shalt  }
tec
execute0_lowered:
.L_overlay_start_1:
0x0: {  	(tag) =	ssettag $0x1  }
0x1: {  	s0 =	rddreg [dreg:$0x0]  }
0x2: {  	s1 =	rddreg [dreg:$0x1];
	s2 =	simm.s32 $0x0;
	s3 =	srdreg.scid  }
0x3: {  	s5 =	stileid.u32;
	s24 =	simm.s32 $0x80;
	s25 =	simm.s32 $0x100  }
0x4: {  	s26 =	simm.s32 $0x180;
	s28 =	simm.s32 $0x3200;
	s29 =	simm.s32 $0x3A00  }
0x5: {  	s30 =	simm.s32 $0x4200;
	s31 =	simm.s32 $0x4A00;
	s12 =	simm.s32 $0x7200  }
0x6: {  	s13 =	simm.s32 $0x7A00;
	s14 =	simm.s32 $0x8A00;
	s15 =	simm.s32 $0x9200  }
0x7: {  	[smem:$0x7FF] =	sst s2;
	s4 =	sand.u32 $0x1, s3;
	s16 =	sshll.u32 s5, $0x1  }
0x8: {  	s3 =	sadd.s32 $0xC2000, s0;
	s6 =	sadd.s32 $0xC1800, s0;
	s8 =	sadd.s32 $0xC1C00, s0  }
0x9: {  	s11 =	sadd.s32 $0x1600, s0;
	_ =	strace $0x8000004A;
	[dreg:$0xb] =	wrdreg s24  }
0xa: {  	s5 =	sor.u32 s4, s16;
	s4 =	ssub.s32 $0x2, s4;
	[dreg:$0xc] =	wrdreg s25  }
0xb: {  	[dreg:$0xd] =	wrdreg s26;
	s25 =	simm.s32 $0x200;
	s24 =	simm.s32 $0x2200  }
0xc: {  	s26 =	simm.s32 $0x2A00;
	s16 =	simm.s32 $0x9A00;
	s7 =	sshll.u32 s5, $0x5  }
0xd: {  	s5 =	sshll.u32 s5, $0xD;
	s21 =	sshrl.u32 s4, $0x1;
	s9 =	sadd.s32 s6, s7  }
0xe: {  	s10 =	sor.u32 $0x10, s7;
	s17 =	sadd.s32 s8, s7;
	s19 =	sadd.s32 s1, s5  }
0xf: {  	s20 =	sor.u32 $0x1000, s5;
	s22 =	sadd.s32 s11, s5;
	[dreg:$0x3] =	wrdreg s9  }
0x10: {  	s5 =	sadd.s32 $0xC2200, s0;
	s6 =	sadd.s32 s6, s10;
	[dreg:$0x5] =	wrdreg s17  }
0x11: {  	s18 =	sadd.s32 s8, s10;
	[dreg:$0x7] =	wrdreg s19;
	s1 =	sadd.s32 s1, s20  }
0x12: {  	s8 =	ssub.s32 s4, s21;
	s4 =	sadd.s32 $0xC2100, s0;
	[dreg:$0x9] =	wrdreg s22  }
0x13: {  	s23 =	sadd.s32 s11, s20;
	s22 =	simm.s32 $0x1200;
	[dreg:$0x4] =	wrdreg s6  }
0x14: {  	s10 =	simm.s32 $0x6200;
	s11 =	simm.s32 $0x6A00;
	[dreg:$0x6] =	wrdreg s18  }
0x15: {  	v2 =	vlaneseq.u32;
	s17 =	simm.s32 $0xA200;
	s19 =	simm.s32 $0xB200;
	[dreg:$0x8] =	wrdreg s1  }
0x16: {  	vm0 =	vmmov $0xffff;
	v1 =	vshrl.u32 v2, $0x3;
	[dreg:$0xa] =	wrdreg s23;
	s6 =	sadd.s32 $0xC2300, s0;
	s7 =	smax.u32 s8, $0x1  }
0x17: {  	v0 =	vand.u32 $0x7, v2;
	v2 =	vor.u32 $0x8, v2;
	v1 =	vmul.u32 $0x8, v1;
	s8 =	simm.s32 $0x3;
	s23 =	simm.s32 $0x1A00;
	s18 =	simm.s32 $0x8200  }
.LBB2_1:
0x18: {  	s20 =	rddreg [dreg:$0x3]  }
0x19: {  	[tilespmem:s2], [sflag:$0x3] =	stream.linear.gather [hbm4b:s20+s2], $0x80, $0x38;
	[tilespmem:$0x10200] =	vst v63  }
0x1a: {  	_ =	swait.ge [sflag:s8], $0x80  }
0x1b: {  	s9 =	rddreg [dreg:$0x4];
	[sflag:s8] =	ssyncset.done $0x0  }
0x1c: {  	s21 =	rddreg [dreg:$0xb];
	[sflag:s8] =	ssyncadd.s32 $0xFFFFFF80  }
0x1d: {  	[tilespmem:s21], [sflag:$0x3] =	stream.linear.gather [hbm4b:s9+s2], $0x80, $0x38;
	[tilespmem:$0x10200] =	vst v63  }
0x1e: {  	_ =	swait.ge [sflag:s8], $0x80  }
0x1f: {  	s21 =	rddreg [dreg:$0x5];
	[sflag:s8] =	ssyncset.done $0x0  }
0x20: {  	s0 =	rddreg [dreg:$0xc];
	[sflag:s8] =	ssyncadd.s32 $0xFFFFFF80  }
0x21: {  	[tilespmem:s0], [sflag:$0x3] =	stream.linear.gather [hbm4b:s21+s2], $0x80, $0x38;
	[tilespmem:$0x10200] =	vst v63  }
0x22: {  	_ =	swait.ge [sflag:s8], $0x80  }
0x23: {  	s1 =	rddreg [dreg:$0x6];
	[sflag:s8] =	ssyncset.done $0x0  }
0x24: {  	s9 =	rddreg [dreg:$0xd];
	[sflag:s8] =	ssyncadd.s32 $0xFFFFFF80  }
0x25: {  	[tilespmem:s9], [sflag:$0x3] =	stream.linear.gather [hbm4b:s1+s2], $0x80, $0x38;
	[tilespmem:$0x10200] =	vst v63  }
0x26: {  	_ =	swait.ge [sflag:s8], $0x80  }
0x27: {  	[sflag:s8] =	ssyncset.done $0x0  }
0x28: {  	[sflag:s8] =	ssyncadd.s32 $0xFFFFFF80  }
0x29: {  	v3 =	vld [tilespmem:$0x0];
	_ =	sdelay $0x4  }
0x2a: {  	v4 =	vshll.u32 v3, $0x3  }
0x2b: {  	v3 =	vand.u32 $0x7, v3;
	v4 =	vand.u32 $0xFFFFFFC0, v4  }
0x2c: {  	v3 =	vor.u32 v3, v4  }
0x2d: {  	v4 =	vperm.xlane v3, v0;
	_ =	sdelay $0x1  }
0x2e: {  	v4 =	vadd.s32 v1, v4;
	_ =	sdelay $0x4  }
0x2f: {  	[tilespmem:s25], [sflag:$0x1] =	stream.indirect_vreg.gather [hbm4b:s3+s2], $0x80, v4, vm0, $0xb8;
	[tilespmem:$0x10200] =	vst v63  }
0x30: {  	s21 =	simm.s32 $0xA00;
	v3 =	vperm.xlane v3, v2  }
0x31: {  	[tilespmem:s21], [sflag:$0x1] =	stream.indirect_vreg.gather [hbm4b:s4+s2], $0x80, v4, vm0, $0xb8;
	[tilespmem:$0x10200] =	vst v63  }
0x32: {  	v3 =	vadd.s32 v1, v3  }
0x33: {  	[tilespmem:s22], [sflag:$0x1] =	stream.indirect_vreg.gather [hbm4b:s5+s2], $0x80, v4, vm0, $0xb8;
	[tilespmem:$0x10200] =	vst v63  }
0x34: {  	_ = 	snop  }
0x35: {  	[tilespmem:s23], [sflag:$0x1] =	stream.indirect_vreg.gather [hbm4b:s6+s2], $0x80, v4, vm0, $0xb8;
	[tilespmem:$0x10200] =	vst v63  }
0x36: {  	_ = 	snop  }
0x37: {  	[tilespmem:s24], [sflag:$0x1] =	stream.indirect_vreg.gather [hbm4b:s3+s2], $0x80, v3, vm0, $0xb8;
	[tilespmem:$0x10200] =	vst v63  }
0x38: {  	_ = 	snop  }
0x39: {  	[tilespmem:s26], [sflag:$0x1] =	stream.indirect_vreg.gather [hbm4b:s4+s2], $0x80, v3, vm0, $0xb8;
	[tilespmem:$0x10200] =	vst v63  }
0x3a: {  	_ = 	snop  }
0x3b: {  	[tilespmem:s28], [sflag:$0x1] =	stream.indirect_vreg.gather [hbm4b:s5+s2], $0x80, v3, vm0, $0xb8;
	[tilespmem:$0x10200] =	vst v63  }
0x3c: {  	_ = 	snop  }
0x3d: {  	[tilespmem:s29], [sflag:$0x1] =	stream.indirect_vreg.gather [hbm4b:s6+s2], $0x80, v3, vm0, $0xb8;
	[tilespmem:$0x10200] =	vst v63  }
0x3e: {  	v3 =	vld [tilespmem:$0x10];
	_ =	sdelay $0x4  }
0x3f: {  	v57 =	vshll.u32 v3, $0x3  }
0x40: {  	v3 =	vand.u32 $0x7, v3;
	v4 =	vand.u32 $0xFFFFFFC0, v57  }
0x41: {  	v3 =	vor.u32 v3, v4  }
0x42: {  	v4 =	vperm.xlane v3, v0;
	_ =	sdelay $0x1  }
0x43: {  	v4 =	vadd.s32 v1, v4;
	_ =	sdelay $0x4  }
0x44: {  	[tilespmem:s30], [sflag:$0x1] =	stream.indirect_vreg.gather [hbm4b:s3+s2], $0x80, v4, vm0, $0xb8;
	[tilespmem:$0x10200] =	vst v63  }
0x45: {  	v3 =	vperm.xlane v3, v2  }
0x46: {  	[tilespmem:s31], [sflag:$0x1] =	stream.indirect_vreg.gather [hbm4b:s4+s2], $0x80, v4, vm0, $0xb8;
	[tilespmem:$0x10200] =	vst v63  }
0x47: {  	s9 =	simm.s32 $0x5200;
	v3 =	vadd.s32 v1, v3  }
0x48: {  	[tilespmem:s9], [sflag:$0x1] =	stream.indirect_vreg.gather [hbm4b:s5+s2], $0x80, v4, vm0, $0xb8;
	[tilespmem:$0x10200] =	vst v63  }
0x49: {  	s1 =	simm.s32 $0x5A00  }
0x4a: {  	[tilespmem:s1], [sflag:$0x1] =	stream.indirect_vreg.gather [hbm4b:s6+s2], $0x80, v4, vm0, $0xb8;
	[tilespmem:$0x10200] =	vst v63  }
0x4b: {  	_ = 	snop  }
0x4c: {  	[tilespmem:s10], [sflag:$0x1] =	stream.indirect_vreg.gather [hbm4b:s3+s2], $0x80, v3, vm0, $0xb8;
	[tilespmem:$0x10200] =	vst v63  }
0x4d: {  	_ = 	snop  }
0x4e: {  	[tilespmem:s11], [sflag:$0x1] =	stream.indirect_vreg.gather [hbm4b:s4+s2], $0x80, v3, vm0, $0xb8;
	[tilespmem:$0x10200] =	vst v63  }
0x4f: {  	_ = 	snop  }
0x50: {  	[tilespmem:s12], [sflag:$0x1] =	stream.indirect_vreg.gather [hbm4b:s5+s2], $0x80, v3, vm0, $0xb8;
	[tilespmem:$0x10200] =	vst v63  }
0x51: {  	_ = 	snop  }
0x52: {  	[tilespmem:s13], [sflag:$0x1] =	stream.indirect_vreg.gather [hbm4b:s6+s2], $0x80, v3, vm0, $0xb8;
	[tilespmem:$0x10200] =	vst v63  }
0x53: {  	v3 =	vld [tilespmem:$0x80];
	_ =	sdelay $0x4  }
0x54: {  	v58 =	vshll.u32 v3, $0x3  }
0x55: {  	v3 =	vand.u32 $0x7, v3;
	v4 =	vand.u32 $0xFFFFFFC0, v58  }
0x56: {  	v3 =	vor.u32 v3, v4  }
0x57: {  	v4 =	vperm.xlane v3, v0;
	_ =	sdelay $0x1  }
0x58: {  	v4 =	vadd.s32 v1, v4;
	_ =	sdelay $0x4  }
0x59: {  	[tilespmem:s18], [sflag:$0x2] =	stream.indirect_vreg.gather [hbm4b:s3+s2], $0x80, v4, vm0, $0xb8;
	[tilespmem:$0x10200] =	vst v63  }
0x5a: {  	v3 =	vperm.xlane v3, v2  }
0x5b: {  	[tilespmem:s14], [sflag:$0x2] =	stream.indirect_vreg.gather [hbm4b:s4+s2], $0x80, v4, vm0, $0xb8;
	[tilespmem:$0x10200] =	vst v63  }
0x5c: {  	v3 =	vadd.s32 v1, v3  }
0x5d: {  	[tilespmem:s15], [sflag:$0x2] =	stream.indirect_vreg.gather [hbm4b:s5+s2], $0x80, v4, vm0, $0xb8;
	[tilespmem:$0x10200] =	vst v63  }
0x5e: {  	_ = 	snop  }
0x5f: {  	[tilespmem:s16], [sflag:$0x2] =	stream.indirect_vreg.gather [hbm4b:s6+s2], $0x80, v4, vm0, $0xb8;
	[tilespmem:$0x10200] =	vst v63  }
0x60: {  	_ = 	snop  }
0x61: {  	[tilespmem:s17], [sflag:$0x2] =	stream.indirect_vreg.gather [hbm4b:s3+s2], $0x80, v3, vm0, $0xb8;
	[tilespmem:$0x10200] =	vst v63  }
0x62: {  	s0 =	simm.s32 $0xAA00  }
0x63: {  	[tilespmem:s0], [sflag:$0x2] =	stream.indirect_vreg.gather [hbm4b:s4+s2], $0x80, v3, vm0, $0xb8;
	[tilespmem:$0x10200] =	vst v63  }
0x64: {  	_ = 	snop  }
0x65: {  	[tilespmem:s19], [sflag:$0x2] =	stream.indirect_vreg.gather [hbm4b:s5+s2], $0x80, v3, vm0, $0xb8;
	[tilespmem:$0x10200] =	vst v63  }
0x66: {  	s20 =	simm.s32 $0xBA00  }
0x67: {  	[tilespmem:s20], [sflag:$0x2] =	stream.indirect_vreg.gather [hbm4b:s6+s2], $0x80, v3, vm0, $0xb8;
	[tilespmem:$0x10200] =	vst v63  }
0x68: {  	v3 =	vld [tilespmem:$0x90];
	_ =	sdelay $0x4  }
0x69: {  	v59 =	vshll.u32 v3, $0x3  }
0x6a: {  	v3 =	vand.u32 $0x7, v3;
	v4 =	vand.u32 $0xFFFFFFC0, v59  }
0x6b: {  	v3 =	vor.u32 v3, v4  }
0x6c: {  	v4 =	vperm.xlane v3, v0;
	_ =	sdelay $0x1  }
0x6d: {  	v4 =	vadd.s32 v1, v4;
	_ =	sdelay $0x3  }
0x6e: {  	s20 =	simm.s32 $0xC200  }
0x6f: {  	[tilespmem:s20], [sflag:$0x2] =	stream.indirect_vreg.gather [hbm4b:s3+s2], $0x80, v4, vm0, $0xb8;
	[tilespmem:$0x10200] =	vst v63  }
0x70: {  	v3 =	vperm.xlane v3, v2;
	s20 =	simm.s32 $0xCA00  }
0x71: {  	[tilespmem:s20], [sflag:$0x2] =	stream.indirect_vreg.gather [hbm4b:s4+s2], $0x80, v4, vm0, $0xb8;
	[tilespmem:$0x10200] =	vst v63  }
0x72: {  	v3 =	vadd.s32 v1, v3;
	s20 =	simm.s32 $0xD200  }
0x73: {  	[tilespmem:s20], [sflag:$0x2] =	stream.indirect_vreg.gather [hbm4b:s5+s2], $0x80, v4, vm0, $0xb8;
	[tilespmem:$0x10200] =	vst v63  }
0x74: {  	s20 =	simm.s32 $0xDA00  }
0x75: {  	[tilespmem:s20], [sflag:$0x2] =	stream.indirect_vreg.gather [hbm4b:s6+s2], $0x80, v4, vm0, $0xb8;
	[tilespmem:$0x10200] =	vst v63  }
0x76: {  	s20 =	simm.s32 $0xE200  }
0x77: {  	[tilespmem:s20], [sflag:$0x2] =	stream.indirect_vreg.gather [hbm4b:s3+s2], $0x80, v3, vm0, $0xb8;
	[tilespmem:$0x10200] =	vst v63  }
0x78: {  	s20 =	simm.s32 $0xEA00  }
0x79: {  	[tilespmem:s20], [sflag:$0x2] =	stream.indirect_vreg.gather [hbm4b:s4+s2], $0x80, v3, vm0, $0xb8;
	[tilespmem:$0x10200] =	vst v63  }
0x7a: {  	s20 =	simm.s32 $0xF200  }
0x7b: {  	[tilespmem:s20], [sflag:$0x2] =	stream.indirect_vreg.gather [hbm4b:s5+s2], $0x80, v3, vm0, $0xb8;
	[tilespmem:$0x10200] =	vst v63  }
0x7c: {  	s0 =	simm.s32 $0x1;
	s20 =	simm.s32 $0xFA00  }
0x7d: {  	[tilespmem:s20], [sflag:$0x2] =	stream.indirect_vreg.gather [hbm4b:s6+s2], $0x80, v3, vm0, $0xb8;
	[tilespmem:$0x10200] =	vst v63  }
0x7e: {  	_ =	swait.ge [sflag:s0], $0x8000  }
0x7f: {  	[sflag:s0] =	ssyncset.done $0x0  }
0x80: {  	s20 =	rddreg [dreg:$0x7];
	[sflag:s0] =	ssyncadd.s32 $0xFFFF8000  }
0x81: {  	[hbm4b:s20+s2] =	stream.linear.scatter [tilespmem:s25], [sflag:$0x3], $0x8000, $0x38;
	[tilespmem:$0x10200] =	vst v63  }
0x82: {  	_ =	swait.ge [sflag:s8], $0x8000  }
0x83: {  	[sflag:s8] =	ssyncset.done $0x0  }
0x84: {  	[sflag:s8] =	ssyncadd.s32 $0xFFFF8000  }
0x85: {  	v3 =	vld [tilespmem:$0x100];
	_ =	sdelay $0x4  }
0x86: {  	v60 =	vshll.u32 v3, $0x3  }
0x87: {  	v3 =	vand.u32 $0x7, v3;
	v4 =	vand.u32 $0xFFFFFFC0, v60  }
0x88: {  	v3 =	vor.u32 v3, v4  }
0x89: {  	v4 =	vperm.xlane v3, v0;
	_ =	sdelay $0x1  }
0x8a: {  	v4 =	vadd.s32 v1, v4;
	_ =	sdelay $0x4  }
0x8b: {  	[tilespmem:s25], [sflag:$0x1] =	stream.indirect_vreg.gather [hbm4b:s3+s2], $0x80, v4, vm0, $0xb8;
	[tilespmem:$0x10200] =	vst v63  }
0x8c: {  	v3 =	vperm.xlane v3, v2  }
0x8d: {  	[tilespmem:s21], [sflag:$0x1] =	stream.indirect_vreg.gather [hbm4b:s4+s2], $0x80, v4, vm0, $0xb8;
	[tilespmem:$0x10200] =	vst v63  }
0x8e: {  	v3 =	vadd.s32 v1, v3  }
0x8f: {  	[tilespmem:s22], [sflag:$0x1] =	stream.indirect_vreg.gather [hbm4b:s5+s2], $0x80, v4, vm0, $0xb8;
	[tilespmem:$0x10200] =	vst v63  }
0x90: {  	_ = 	snop  }
0x91: {  	[tilespmem:s23], [sflag:$0x1] =	stream.indirect_vreg.gather [hbm4b:s6+s2], $0x80, v4, vm0, $0xb8;
	[tilespmem:$0x10200] =	vst v63  }
0x92: {  	_ = 	snop  }
0x93: {  	[tilespmem:s24], [sflag:$0x1] =	stream.indirect_vreg.gather [hbm4b:s3+s2], $0x80, v3, vm0, $0xb8;
	[tilespmem:$0x10200] =	vst v63  }
0x94: {  	_ = 	snop  }
0x95: {  	[tilespmem:s26], [sflag:$0x1] =	stream.indirect_vreg.gather [hbm4b:s4+s2], $0x80, v3, vm0, $0xb8;
	[tilespmem:$0x10200] =	vst v63  }
0x96: {  	_ = 	snop  }
0x97: {  	[tilespmem:s28], [sflag:$0x1] =	stream.indirect_vreg.gather [hbm4b:s5+s2], $0x80, v3, vm0, $0xb8;
	[tilespmem:$0x10200] =	vst v63  }
0x98: {  	_ = 	snop  }
0x99: {  	[tilespmem:s29], [sflag:$0x1] =	stream.indirect_vreg.gather [hbm4b:s6+s2], $0x80, v3, vm0, $0xb8;
	[tilespmem:$0x10200] =	vst v63  }
0x9a: {  	v3 =	vld [tilespmem:$0x110];
	_ =	sdelay $0x4  }
0x9b: {  	v61 =	vshll.u32 v3, $0x3  }
0x9c: {  	v3 =	vand.u32 $0x7, v3;
	v4 =	vand.u32 $0xFFFFFFC0, v61  }
0x9d: {  	v3 =	vor.u32 v3, v4  }
0x9e: {  	v4 =	vperm.xlane v3, v0;
	_ =	sdelay $0x1  }
0x9f: {  	v4 =	vadd.s32 v1, v4;
	_ =	sdelay $0x4  }
0xa0: {  	[tilespmem:s30], [sflag:$0x1] =	stream.indirect_vreg.gather [hbm4b:s3+s2], $0x80, v4, vm0, $0xb8;
	[tilespmem:$0x10200] =	vst v63  }
0xa1: {  	v3 =	vperm.xlane v3, v2  }
0xa2: {  	[tilespmem:s31], [sflag:$0x1] =	stream.indirect_vreg.gather [hbm4b:s4+s2], $0x80, v4, vm0, $0xb8;
	[tilespmem:$0x10200] =	vst v63  }
0xa3: {  	v3 =	vadd.s32 v1, v3  }
0xa4: {  	[tilespmem:s9], [sflag:$0x1] =	stream.indirect_vreg.gather [hbm4b:s5+s2], $0x80, v4, vm0, $0xb8;
	[tilespmem:$0x10200] =	vst v63  }
0xa5: {  	_ = 	snop  }
0xa6: {  	[tilespmem:s1], [sflag:$0x1] =	stream.indirect_vreg.gather [hbm4b:s6+s2], $0x80, v4, vm0, $0xb8;
	[tilespmem:$0x10200] =	vst v63  }
0xa7: {  	_ = 	snop  }
0xa8: {  	[tilespmem:s10], [sflag:$0x1] =	stream.indirect_vreg.gather [hbm4b:s3+s2], $0x80, v3, vm0, $0xb8;
	[tilespmem:$0x10200] =	vst v63  }
0xa9: {  	_ = 	snop  }
0xaa: {  	[tilespmem:s11], [sflag:$0x1] =	stream.indirect_vreg.gather [hbm4b:s4+s2], $0x80, v3, vm0, $0xb8;
	[tilespmem:$0x10200] =	vst v63  }
0xab: {  	_ = 	snop  }
0xac: {  	[tilespmem:s12], [sflag:$0x1] =	stream.indirect_vreg.gather [hbm4b:s5+s2], $0x80, v3, vm0, $0xb8;
	[tilespmem:$0x10200] =	vst v63  }
0xad: {  	s1 =	simm.s32 $0x2  }
0xae: {  	[tilespmem:s13], [sflag:$0x1] =	stream.indirect_vreg.gather [hbm4b:s6+s2], $0x80, v3, vm0, $0xb8;
	[tilespmem:$0x10200] =	vst v63  }
0xaf: {  	_ =	swait.ge [sflag:s1], $0x8000  }
0xb0: {  	[sflag:s1] =	ssyncset.done $0x0  }
0xb1: {  	s9 =	rddreg [dreg:$0x8];
	[sflag:s1] =	ssyncadd.s32 $0xFFFF8000  }
0xb2: {  	[hbm4b:s9+s2] =	stream.linear.scatter [tilespmem:s18], [sflag:$0x3], $0x8000, $0x38;
	[tilespmem:$0x10200] =	vst v63  }
0xb3: {  	_ =	swait.ge [sflag:s8], $0x8000  }
0xb4: {  	[sflag:s8] =	ssyncset.done $0x0  }
0xb5: {  	[sflag:s8] =	ssyncadd.s32 $0xFFFF8000  }
0xb6: {  	v3 =	vld [tilespmem:$0x180];
	_ =	sdelay $0x4  }
0xb7: {  	v62 =	vshll.u32 v3, $0x3  }
0xb8: {  	v3 =	vand.u32 $0x7, v3;
	v4 =	vand.u32 $0xFFFFFFC0, v62  }
0xb9: {  	v3 =	vor.u32 v3, v4  }
0xba: {  	v4 =	vperm.xlane v3, v0;
	_ =	sdelay $0x1  }
0xbb: {  	v4 =	vadd.s32 v1, v4;
	_ =	sdelay $0x4  }
0xbc: {  	[tilespmem:s18], [sflag:$0x2] =	stream.indirect_vreg.gather [hbm4b:s3+s2], $0x80, v4, vm0, $0xb8;
	[tilespmem:$0x10200] =	vst v63  }
0xbd: {  	v3 =	vperm.xlane v3, v2  }
0xbe: {  	[tilespmem:s14], [sflag:$0x2] =	stream.indirect_vreg.gather [hbm4b:s4+s2], $0x80, v4, vm0, $0xb8;
	[tilespmem:$0x10200] =	vst v63  }
0xbf: {  	v3 =	vadd.s32 v1, v3  }
0xc0: {  	[tilespmem:s15], [sflag:$0x2] =	stream.indirect_vreg.gather [hbm4b:s5+s2], $0x80, v4, vm0, $0xb8;
	[tilespmem:$0x10200] =	vst v63  }
0xc1: {  	_ = 	snop  }
0xc2: {  	[tilespmem:s16], [sflag:$0x2] =	stream.indirect_vreg.gather [hbm4b:s6+s2], $0x80, v4, vm0, $0xb8;
	[tilespmem:$0x10200] =	vst v63  }
0xc3: {  	_ = 	snop  }
0xc4: {  	[tilespmem:s17], [sflag:$0x2] =	stream.indirect_vreg.gather [hbm4b:s3+s2], $0x80, v3, vm0, $0xb8;
	[tilespmem:$0x10200] =	vst v63  }
0xc5: {  	s20 =	simm.s32 $0xAA00  }
0xc6: {  	[tilespmem:s20], [sflag:$0x2] =	stream.indirect_vreg.gather [hbm4b:s4+s2], $0x80, v3, vm0, $0xb8;
	[tilespmem:$0x10200] =	vst v63  }
0xc7: {  	_ = 	snop  }
0xc8: {  	[tilespmem:s19], [sflag:$0x2] =	stream.indirect_vreg.gather [hbm4b:s5+s2], $0x80, v3, vm0, $0xb8;
	[tilespmem:$0x10200] =	vst v63  }
0xc9: {  	s21 =	simm.s32 $0xBA00  }
0xca: {  	[tilespmem:s21], [sflag:$0x2] =	stream.indirect_vreg.gather [hbm4b:s6+s2], $0x80, v3, vm0, $0xb8;
	[tilespmem:$0x10200] =	vst v63  }
0xcb: {  	v3 =	vld [tilespmem:$0x190];
	_ =	sdelay $0x4  }
0xcc: {  	v63 =	vshll.u32 v3, $0x3  }
0xcd: {  	v3 =	vand.u32 $0x7, v3;
	v4 =	vand.u32 $0xFFFFFFC0, v63  }
0xce: {  	v3 =	vor.u32 v3, v4  }
0xcf: {  	v4 =	vperm.xlane v3, v0;
	_ =	sdelay $0x1  }
0xd0: {  	v4 =	vadd.s32 v1, v4;
	_ =	sdelay $0x3  }
0xd1: {  	s20 =	simm.s32 $0xC200  }
0xd2: {  	[tilespmem:s20], [sflag:$0x2] =	stream.indirect_vreg.gather [hbm4b:s3+s2], $0x80, v4, vm0, $0xb8;
	[tilespmem:$0x10200] =	vst v63  }
0xd3: {  	s21 =	simm.s32 $0xCA00;
	v3 =	vperm.xlane v3, v2  }
0xd4: {  	[tilespmem:s21], [sflag:$0x2] =	stream.indirect_vreg.gather [hbm4b:s4+s2], $0x80, v4, vm0, $0xb8;
	[tilespmem:$0x10200] =	vst v63  }
0xd5: {  	v3 =	vadd.s32 v1, v3;
	s20 =	simm.s32 $0xD200  }
0xd6: {  	[tilespmem:s20], [sflag:$0x2] =	stream.indirect_vreg.gather [hbm4b:s5+s2], $0x80, v4, vm0, $0xb8;
	[tilespmem:$0x10200] =	vst v63  }
0xd7: {  	s21 =	simm.s32 $0xDA00  }
0xd8: {  	[tilespmem:s21], [sflag:$0x2] =	stream.indirect_vreg.gather [hbm4b:s6+s2], $0x80, v4, vm0, $0xb8;
	[tilespmem:$0x10200] =	vst v63  }
0xd9: {  	s20 =	simm.s32 $0xE200  }
0xda: {  	[tilespmem:s20], [sflag:$0x2] =	stream.indirect_vreg.gather [hbm4b:s3+s2], $0x80, v3, vm0, $0xb8;
	[tilespmem:$0x10200] =	vst v63  }
0xdb: {  	s21 =	simm.s32 $0xEA00  }
0xdc: {  	[tilespmem:s21], [sflag:$0x2] =	stream.indirect_vreg.gather [hbm4b:s4+s2], $0x80, v3, vm0, $0xb8;
	[tilespmem:$0x10200] =	vst v63  }
0xdd: {  	s20 =	simm.s32 $0xF200  }
0xde: {  	[tilespmem:s20], [sflag:$0x2] =	stream.indirect_vreg.gather [hbm4b:s5+s2], $0x80, v3, vm0, $0xb8;
	[tilespmem:$0x10200] =	vst v63  }
0xdf: {  	s21 =	simm.s32 $0xFA00  }
0xe0: {  	[tilespmem:s21], [sflag:$0x2] =	stream.indirect_vreg.gather [hbm4b:s6+s2], $0x80, v3, vm0, $0xb8;
	[tilespmem:$0x10200] =	vst v63  }
0xe1: {  	_ =	swait.ge [sflag:s0], $0x8000  }
0xe2: {  	[sflag:s0] =	ssyncset.done $0x0  }
0xe3: {  	s9 =	rddreg [dreg:$0x9];
	[sflag:s0] =	ssyncadd.s32 $0xFFFF8000  }
0xe4: {  	[hbm4b:s9+s2] =	stream.linear.scatter [tilespmem:s25], [sflag:$0x3], $0x8000, $0x38;
	[tilespmem:$0x10200] =	vst v63  }
0xe5: {  	_ =	swait.ge [sflag:s8], $0x8000  }
0xe6: {  	[sflag:s8] =	ssyncset.done $0x0  }
0xe7: {  	[sflag:s8] =	ssyncadd.s32 $0xFFFF8000  }
0xe8: {  	_ =	swait.ge [sflag:s1], $0x8000  }
0xe9: {  	p0 =	sne.s32 s7, $0x1;
	[sflag:s1] =	ssyncset.done $0x0  }
.Ltmp0:
0xea: {  	s21 =	rddreg [dreg:$0xa];
	[sflag:s1] =	ssyncadd.s32 $0xFFFF8000;
	(pc) =	sbr.rel @p0 .LBB2_1-.Ltmp0, $4  }
0xeb: {  	[hbm4b:s21+s2] =	stream.linear.scatter [tilespmem:s18], [sflag:$0x3], $0x8000, $0x38;
	[tilespmem:$0x10200] =	vst v63  }
0xec: {  	_ =	swait.ge [sflag:s8], $0x8000  }
0xed: {  	[sflag:s8] =	ssyncset.done $0x0  }
0xee: {  	s7 =	sadd.s32 $0xFFFFFFFF, s7;
	[sflag:s8] =	ssyncadd.s32 $0xFFFF8000  }
0xef: {  	_ =	sfence.sel $0x180000  }
0xf0: {  	[bflag:$0x0] =	sbarrier.arrive $0xFFFF  }
0xf1: {  	_ =	strace $0x9000004A  }
0xf2: {  	s0 =	stileid.u32;
	[bflag:$0x2] =	sbarrier.arrive $0xFFFF  }
0xf3: {  	p0 =	sne.s32 s0, $0x0;
	s0 =	rddreg [dreg:$0x2]  }
0xf4: {  	s0 =	sadd.s32 @!p0 $0x100000, s0  }
0xf5: {  	[sflag:s0] =	ssyncadd.tile.s32 @!p0 $0x1;
	_ =	shalt  }
.Lfunc_end2:
_tile_overlayer_lowered:
.L_overlay_start_2:
0xf6: {  	(tag) =	ssettag $0x2  }
0xf7: {  	s0 =	rddreg [dreg:$0x0];
	s2 =	stileid.u32  }
0xf8: {  	s1 =	rddreg [dreg:$0x1];
	p0 =	sne.s32 s2, $0x0  }
0xf9: {  	s3 =	rddreg [dreg:$0x2];
	[bflag:$0x3] =	sbarrier.arrive $0xFFFF;
	s2 =	simm.s32 @!p0 $0x1C03  }
0xfa: {  	[timem:s3], [sflag:s2] =	dma.local @!p0 [hbm:s0], s1  }
0xfb: {  	s0 =	simm.s32 @!p0 $0x3  }
0xfc: {  	_ =	swait.ge @!p0 [sflag:s0], s1  }
0xfd: {  	s1 =	ssub.s32 @!p0 $0x0, s1;
	[sflag:s0] =	ssyncset.done @!p0 $0x0  }
0xfe: {  	[sflag:s0] =	ssyncadd.s32 @!p0 s1  }
0xff: {  	[bflag:$0x3] =	sbarrier.arrive $0xFFFF  }
0x100: {  	_ =	shalt  }

// kernel: _moe.7.cloned.1.call-start
scs
__scs_entry_jumppad:
0x0: {  	(pc) =	sbr.rel $0x88, $3  }
0x1: {  	(tag) =	ssettag $0x0;
	lr =	simm.s32 $0x1  }
0x2: {  	[smem:$0x3F9B] =	sst lr;
	_ =	strace $0xD0000000  }
0x3: {  	_ = 	snop  }
0x4: {  	_ = 	snop  }
0x5: {  	_ = 	snop  }
0x6: {  	_ = 	snop  }
0x7: {  	_ = 	snop  }
__scs_overlays_trampoline_lowered:
0x8: {  	[smem:$0x3FAA] =	sst s0  }
0x9: {  	[smem:$0x3FAB] =	sst s1  }
0xa: {  	[smem:$0x3FAC] =	sst s2  }
0xb: {  	[smem:$0x3FAD] =	sst s3  }
0xc: {  	[smem:$0x3FAE] =	sst s4  }
0xd: {  	[smem:$0x3FAF] =	sst s5  }
0xe: {  	[smem:$0x3FB0] =	sst s6  }
0xf: {  	[smem:$0x3FB1] =	sst s7  }
0x10: {  	[smem:$0x3FB2] =	sst s8  }
0x11: {  	[smem:$0x3FB3] =	sst s9;
	s0 =	simm.s32 @!p0 $0x0  }
0x12: {  	s1 =	sld [smem:$0x3F99];
	s0 =	simm.s32 @p0 $0x1  }
0x13: {  	[smem:$0x3FB4] =	sst s0;
	s0 =	simm.s32 @!p1 $0x0  }
0x14: {  	s2 =	sld [smem:$0x3F98];
	s0 =	simm.s32 @p1 $0x1  }
0x15: {  	[smem:$0x3FB5] =	sst s0;
	s0 =	simm.s32 @!p2 $0x0  }
0x16: {  	s3 =	sld [smem:$0x3FDB];
	s0 =	simm.s32 @p2 $0x1  }
0x17: {  	s4 =	simm.s32 $0x1BF5;
	[smem:$0x3FB7] =	sst s0  }
0x18: {  	s0 =	sld [smem:$0x3F9A];
	_ =	swait.ge [sflag:s4], $0x0  }
0x19: {  	s7 =	sld [smem:$0x3F9B]  }
0x1a: {  	s8 =	sadd.s32 $0xFFFFE003, lr  }
0x1b: {  	s9 =	sadd.s32 $0xFFFFFEF7, lr;
	s5 =	simm.s32 $0xFFFFFFFF;
	p2 =	slt.u32 s8, $0xFFFFF086  }
0x1c: {  	p1 =	slt.u32 s9, $0xF7A;
	s5 =	simm.s32 @!p2 $0x0  }
0x1d: {  	s5 =	simm.s32 @p1 $0x1;
	p0 =	seq.s32 s7, s2  }
0x1e: {  	s7 =	smul.u32 @!p0 $0xF7A, s2;
	p2 =	seq.s32 @!p0 s5, $0x0  }
0x1f: {  	s9 =	smul.u32 $0xF7A, s1;
	s8 =	simm.s32 @!p0 $0x1BF5;
	p2 =	por !p2, p0  }
0x20: {  	[sflag:s8] =	ssyncset.s32 @!p0 $0xFFFFF086;
	s6 =	sadd.s32 @!p0 s3, s7;
	s7 =	simm.s32 @!p0 $0x108  }
0x21: {  	s3 =	sadd.s32 s3, s9;
	s6 =	sadd.s32 @!p0 $0x88, s6;
	s7 =	simm.s32 @p2 $0x1082  }
0x22: {  	[simem:s7], [sflag:s8] =	dma.local @!p0 [hbm:s6], $0xF7A  }
0x23: {  	s9 =	sor.u32 $0xD0000000, s2;
	s6 =	simm.s32 $0x108;
	_ =	swait.ge @!p0 [sflag:s8], $0x0  }
0x24: {  	s3 =	sadd.s32 $0x88, s3;
	s6 =	simm.s32 @!p1 $0x1082;
	[sflag:s4] =	ssyncset.s32 $0xFFFFF086  }
0x25: {  	[simem:s6], [sflag:s4] =	dma.local [hbm:s3], $0xF7A  }
0x26: {  	[smem:$0x3F9B] =	sst s1;
	(tag) =	ssettag s2;
	_ =	strace s9  }
0x27: {  	s1 =	sld [smem:$0x3FAB]  }
0x28: {  	s2 =	sld [smem:$0x3FAC]  }
0x29: {  	s4 =	sld [smem:$0x3FAE]  }
0x2a: {  	p0 =	seq.s32 s5, $0x0;
	s5 =	sld [smem:$0x3FAF]  }
0x2b: {  	s6 =	sld [smem:$0x3FB0]  }
0x2c: {  	s7 =	sld [smem:$0x3FB1]  }
0x2d: {  	s3 =	simm.s32 $0x108;
	s8 =	sld [smem:$0x3FB2]  }
0x2e: {  	s3 =	simm.s32 @!p0 $0x1082;
	s9 =	sld [smem:$0x3FB3]  }
0x2f: {  	lr =	sadd.s32 s0, s3;
	s0 =	sld [smem:$0x3FAA]  }
0x30: {  	s3 =	sld [smem:$0x3FAD]  }
0x31: {  	[smem:$0x3FB6] =	sst s10  }
0x32: {  	s10 =	sld [smem:$0x3FB4];
	_ =	sdelay $0x3  }
0x33: {  	p0 =	seq.s32 s10, $0x1;
	s10 =	sld [smem:$0x3FB6];
	_ =	sdelay $0x3  }
0x34: {  	[smem:$0x3FB6] =	sst s10  }
0x35: {  	s10 =	sld [smem:$0x3FB5];
	_ =	sdelay $0x3  }
0x36: {  	p1 =	seq.s32 s10, $0x1;
	s10 =	sld [smem:$0x3FB6];
	_ =	sdelay $0x3  }
0x37: {  	[smem:$0x3FB6] =	sst s10  }
0x38: {  	s10 =	sld [smem:$0x3FB7]  }
0x39: {  	_ = 	snop;
	(pc) =	sbr.ind lr, $3  }
0x3a: {  	_ = 	snop  }
0x3b: {  	_ = 	snop  }
0x3c: {  	p2 =	seq.s32 s10, $0x1;
	s10 =	sld [smem:$0x3FB6]  }
0x3d: {  	_ =	shalt  }
0x3e: {  	_ =	shalt  }
0x3f: {  	_ =	shalt  }
0x40: {  	_ =	shalt  }
0x41: {  	_ =	shalt  }
0x42: {  	_ =	shalt  }
0x43: {  	_ =	shalt  }
0x44: {  	_ =	shalt  }
0x45: {  	_ =	shalt  }
0x46: {  	_ =	shalt  }
0x47: {  	_ =	shalt  }
0x48: {  	_ =	shalt  }
0x49: {  	_ =	shalt  }
0x4a: {  	_ =	shalt  }
0x4b: {  	_ =	shalt  }
0x4c: {  	_ =	shalt  }
0x4d: {  	_ =	shalt  }
0x4e: {  	_ =	shalt  }
0x4f: {  	_ =	shalt  }
0x50: {  	_ =	shalt  }
0x51: {  	_ =	shalt  }
0x52: {  	_ =	shalt  }
0x53: {  	_ =	shalt  }
0x54: {  	_ =	shalt  }
0x55: {  	_ =	shalt  }
0x56: {  	_ =	shalt  }
0x57: {  	_ =	shalt  }
0x58: {  	_ =	shalt  }
0x59: {  	_ =	shalt  }
0x5a: {  	_ =	shalt  }
0x5b: {  	_ =	shalt  }
0x5c: {  	_ =	shalt  }
0x5d: {  	_ =	shalt  }
0x5e: {  	_ =	shalt  }
0x5f: {  	_ =	shalt  }
0x60: {  	_ =	shalt  }
0x61: {  	_ =	shalt  }
0x62: {  	_ =	shalt  }
0x63: {  	_ =	shalt  }
0x64: {  	_ =	shalt  }
0x65: {  	_ =	shalt  }
0x66: {  	_ =	shalt  }
0x67: {  	_ =	shalt  }
0x68: {  	_ =	shalt  }
0x69: {  	_ =	shalt  }
0x6a: {  	_ =	shalt  }
0x6b: {  	_ =	shalt  }
0x6c: {  	_ =	shalt  }
0x6d: {  	_ =	shalt  }
0x6e: {  	_ =	shalt  }
0x6f: {  	_ =	shalt  }
0x70: {  	_ =	shalt  }
0x71: {  	_ =	shalt  }
0x72: {  	_ =	shalt  }
0x73: {  	_ =	shalt  }
0x74: {  	_ =	shalt  }
0x75: {  	_ =	shalt  }
0x76: {  	_ =	shalt  }
0x77: {  	_ =	shalt  }
0x78: {  	_ =	shalt  }
0x79: {  	_ =	shalt  }
0x7a: {  	_ =	shalt  }
0x7b: {  	_ =	shalt  }
0x7c: {  	_ =	shalt  }
0x7d: {  	_ =	shalt  }
0x7e: {  	_ =	shalt  }
0x7f: {  	_ =	shalt  }
0x80: {  	_ =	shalt  }
0x81: {  	_ =	shalt  }
0x82: {  	_ =	shalt  }
0x83: {  	_ =	shalt  }
0x84: {  	_ =	shalt  }
0x85: {  	_ =	shalt  }
0x86: {  	_ =	shalt  }
0x87: {  	_ =	shalt  }
.Lfunc_end0:
.L_simem_size_0:
called_computation_lowered:
.L_overlay_start_0:
0x88: {  	s2 =	sld [smem:$0x3FD9]  }
0x89: {  	s3 =	sld [smem:$0x3FFE];
	_ =	sdelay $0x1  }
0x8a: {  	s1 =	srdreg.scid  }
0x8b: {  	s0 =	sand.u32 $0x1, s1  }
0x8c: {  	s14 =	sshll.u32 s0, $0xA;
	s2 =	sadd.s32 s3, s2  }
0x8d: {  	s2 =	sadd.s32 s2, s14  }
0x8e: {  	[smem:$0x3FC2] =	sst s2  }
0x8f: {  	_ = 	snop  }
0x90: {  	s2 =	sld [smem:$0x3FD0];
	_ =	sdelay $0x2  }
0x91: {  	s4 =	simm.s32 $0xA;
	s5 =	simm.s32 $0x10;
	s15 =	sld [smem:$0x3FC9]  }
0x92: {  	[smem:s5], [sflag:s4] =	dma.local [hbm:s2], $0x1  }
0x93: {  	_ =	swait.eq [sflag:s4], $0x1  }
0x94: {  	[sflag:s4] =	ssyncset.done $0x0  }
0x95: {  	s16 =	sld [smem:$0x10];
	[sflag:s4] =	ssyncadd.s32 $0xFFFFFFFF  }
0x96: {  	s17 =	sld [smem:$0x12];
	(tm) =	ssettm $0x1  }
0x97: {  	s18 =	sld [smem:$0x3FFB];
	_ =	sdelay $0x3  }
0x98: {  	_ =	strace s18  }
0x99: {  	s5 =	sld [smem:$0x3FFC];
	_ =	sdelay $0x3  }
0x9a: {  	_ =	strace s5  }
0x9b: {  	s5 =	sld [smem:$0x3FFD];
	_ =	sdelay $0x3  }
0x9c: {  	_ =	strace s5  }
0x9d: {  	_ =	strace $0x8FFFFFFF  }
0x9e: {  	s19 =	sld [smem:$0x3FDB];
	_ =	sdelay $0x1  }
0x9f: {  	s6 =	simm.s32 $_scs_section_size  }
0xa0: {  	s7 =	simm.s32 $_size__tile_overlayer_lowered;
	s8 =	simm.s32 $_tile_overlayer_lowered  }
0xa1: {  	s22 =	simm.s32 $0x1BFF;
	s21 =	sshll.u32 s8, $0x1;
	s5 =	sadd.s32 s6, s19  }
0xa2: {  	s9 =	simm.s32 $0x0;
	s20 =	sshll.u32 s7, $0x1;
	s7 =	sadd.s32 s21, s5  }
0xa3: {  	[timem:s9], [sflag:s22] =	dma.local [hbm:s7], s20  }
0xa4: {  	_ =	swait.ge [sflag:s22], s20  }
0xa5: {  	s6 =	ssub.s32 $0x0, s20;
	[sflag:s22] =	ssyncset.done $0x0  }
0xa6: {  	[sflag:s22] =	ssyncadd.s32 s6;
	_ =	sdelay $0x1  }
0xa7: {  	s23 =	simm.s32 $0x1B8B  }
0xa8: {  	_ =	swait.ge [sflag:s23], $0x1  }
0xa9: {  	[sflag:s23] =	ssyncset.done $0x0  }
0xaa: {  	s25 =	simm.s32 $0x1B8E;
	s24 =	sld [smem:$0x3FFE];
	[sflag:s23] =	ssyncadd.s32 $0xFFFFFFFF  }
0xab: {  	s26 =	simm.s32 $execute0_lowered;
	[smem:$0x3FD2] =	sst s25  }
0xac: {  	s7 =	sshll.u32 s26, $0x1;
	_ =	strace $0x80000046;
	[dreg:$0x1] =	wrdreg $0xFFFFFFFF  }
0xad: {  	s28 =	simm.s32 $_size_execute0_lowered;
	s5 =	sadd.s32 s5, s7;
	[dreg:$0x0] =	wrdreg $0x0  }
0xae: {  	s7 =	sshll.u32 s28, $0x1;
	[dreg:$0x2] =	wrdreg s5  }
0xaf: {  	[dreg:$0x3] =	wrdreg s7  }
0xb0: {  	[dreg:$0x4] =	wrdreg $0xC0  }
0xb1: {  	_ =	task [dreg:s9], $0x5FFFF  }
0xb2: {  	[dreg:$0x1] =	wrdreg $0xFFFFFFFF  }
0xb3: {  	[dreg:$0x0] =	wrdreg $0x60  }
0xb4: {  	[dreg:$0x2] =	wrdreg s15  }
0xb5: {  	[dreg:$0x3] =	wrdreg s24  }
0xb6: {  	[dreg:$0x4] =	wrdreg s16  }
0xb7: {  	[dreg:$0x5] =	wrdreg s17  }
0xb8: {  	[dreg:$0x6] =	wrdreg $0x9  }
0xb9: {  	_ =	task.clear_ibuf [dreg:s9], $0x7FFFF;
	_ =	strace $0x90000046  }
0xba: {  	s29 =	simm.s32 $0x9;
	_ =	strace $0x80000048  }
0xbb: {  	_ =	swait.ge [sflag:s29], $0x1  }
0xbc: {  	[sflag:s29] =	ssyncadd.s32 $0xFFFFFFFF  }
0xbd: {  	_ =	strace $0x90000048  }
0xbe: {  	_ =	sfence  }
0xbf: {  	s30 =	sld [smem:$0x0];
	_ =	sdelay $0x2  }
0xc0: {  	s31 =	sshll.u32 s1, $0xD;
	s1 =	sshrl.u32 s1, $0x2  }
0xc1: {  	s3 =	sand.u32 $0x4000, s31;
	s1 =	sadd.s32 s1, s30  }
0xc2: {  	s0 =	sor.u32 s3, s0;
	s1 =	sshll.u32 s1, $0x11  }
0xc3: {  	s0 =	sor.u32 s1, s0  }
0xc4: {  	s0 =	sadd.s32 $0x8F2B, s0  }
0xc5: {  	[sflag:s0] =	ssyncadd.remote.s32 $0x1  }
0xc6: {  	_ =	sfence.sel $0xFFFF  }
0xc7: {  	[dreg:$0x0] =	wrdreg $0xFFFFFFFF;
	(pc) =	sbr.abs _section_cstart, $3  }
0xc8: {  	[dreg:$0x1] =	wrdreg $0xFFFFFFFF  }
0xc9: {  	_ =	task.clear_ibuf [dreg:s9], $0x2FFFF;
	_ =	strace $0x9FFFFFFF  }
0xca: {  	(tm) =	ssettm $0x7FFFFFFF  }
0xcb: {  	_ =	shalt  }
tec
execute0_lowered:
.L_overlay_start_1:
0x0: {  	(tag) =	ssettag $0x1  }
0x1: {  	s0 =	rddreg [dreg:$0x0]  }
0x2: {  	s1 =	rddreg [dreg:$0x1]  }
0x3: {  	s4 =	rddreg [dreg:$0x2]  }
0x4: {  	s2 =	rddreg [dreg:$0x3]  }
0x5: {  	s3 =	srdreg.scid;
	s6 =	stileid.u32  }
0x6: {  	s21 =	simm.s32 $0x80;
	s22 =	simm.s32 $0x100;
	s23 =	simm.s32 $0x180  }
0x7: {  	s24 =	simm.s32 $0x200;
	s25 =	simm.s32 $0x280;
	s26 =	simm.s32 $0x300  }
0x8: {  	s28 =	simm.s32 $0x3380;
	s29 =	simm.s32 $0x3B80;
	s30 =	simm.s32 $0x4380  }
0x9: {  	s31 =	simm.s32 $0x4B80;
	[dreg:$0x5] =	wrdreg s2;
	s2 =	simm.s32 $0x0  }
0xa: {  	s5 =	sand.u32 $0x1, s3;
	s9 =	sshll.u32 s6, $0x1;
	[smem:$0x7FF] =	sst s2  }
0xb: {  	s3 =	sadd.s32 $0x1800, s1;
	_ =	strace $0x80000047;
	[dreg:$0xd] =	wrdreg s21  }
0xc: {  	s10 =	sadd.s32 $0xC1800, s1;
	s15 =	sadd.s32 $0xC1C00, s1;
	[dreg:$0xe] =	wrdreg s22  }
0xd: {  	s6 =	sor.u32 s5, s9;
	s5 =	ssub.s32 $0x2, s5;
	[dreg:$0xf] =	wrdreg s23  }
0xe: {  	s7 =	sshll.u32 s6, $0x3;
	s8 =	sshll.u32 s6, $0xD;
	[dreg:$0x10] =	wrdreg s24  }
0xf: {  	s13 =	sshll.u32 s6, $0x5;
	s18 =	sshrl.u32 s5, $0x1;
	[dreg:$0x11] =	wrdreg s25  }
0x10: {  	[dreg:$0x12] =	wrdreg s26;
	s24 =	simm.s32 $0x1B80;
	s25 =	simm.s32 $0x2380  }
0x11: {  	s26 =	simm.s32 $0x2B80;
	s21 =	simm.s32 $0xC380;
	s9 =	sadd.s32 s7, s1  }
0x12: {  	s0 =	sadd.s32 s0, s8;
	s12 =	sadd.s32 s4, s7;
	s14 =	sadd.s32 s10, s13  }
0x13: {  	s6 =	sor.u32 $0x10, s13;
	s17 =	sadd.s32 s15, s13;
	s20 =	ssub.s32 s5, s18  }
0x14: {  	s4 =	sadd.s32 $0x1900, s1;
	s5 =	sadd.s32 $0x1A00, s1;
	[dreg:$0x6] =	wrdreg s0  }
0x15: {  	s13 =	simm.s32 $0x7380;
	s18 =	simm.s32 $0x9B80;
	[dreg:$0x8] =	wrdreg s12  }
0x16: {  	s8 =	simm.s32 $0xAB80;
	s11 =	sadd.s32 $0x1600, s9;
	[dreg:$0x9] =	wrdreg s14  }
0x17: {  	s16 =	sadd.s32 s10, s6;
	[dreg:$0xb] =	wrdreg s17;
	s19 =	sadd.s32 s15, s6  }
0x18: {  	s6 =	sadd.s32 $0x1B00, s1;
	s7 =	smax.u32 s20, $0x1;
	s9 =	simm.s32 $0x4  }
0x19: {  	s12 =	simm.s32 $0x6B80;
	s14 =	simm.s32 $0x7B80;
	[dreg:$0x7] =	wrdreg s11  }
0x1a: {  	v2 =	vlaneseq.u32;
	s15 =	simm.s32 $0x8380;
	s17 =	simm.s32 $0x9380;
	[dreg:$0xa] =	wrdreg s16  }
0x1b: {  	vm0 =	vmmov $0xffff;
	v1 =	vshrl.u32 v2, $0x3;
	s10 =	simm.s32 $0xB380;
	s20 =	simm.s32 $0xBB80;
	[dreg:$0xc] =	wrdreg s19  }
0x1c: {  	v0 =	vand.u32 $0x7, v2;
	v2 =	vor.u32 $0x8, v2;
	v1 =	vmul.u32 $0x8, v1;
	s11 =	simm.s32 $0x6380;
	s16 =	simm.s32 $0x8B80;
	s19 =	simm.s32 $0xA380  }
.LBB2_1:
0x1d: {  	s22 =	rddreg [dreg:$0x6];
	s0 =	simm.s32 $0x380  }
0x1e: {  	[tilespmem:s0], [sflag:$0x1] =	stream.linear.gather [hbm4b:s22+s2], $0x10000, $0x38;
	[tilespmem:$0x10380] =	vst v63  }
0x1f: {  	s23 =	rddreg [dreg:$0x5]  }
0x20: {  	[tilespmem:s2], [sflag:$0x4] =	stream.linear.gather [hbm4b:s23+s2], $0x80, $0x38;
	[tilespmem:$0x10380] =	vst v63  }
0x21: {  	_ =	swait.ge [sflag:s9], $0x80  }
0x22: {  	s23 =	rddreg [dreg:$0x7];
	[sflag:s9] =	ssyncset.done $0x0  }
0x23: {  	s0 =	rddreg [dreg:$0xd];
	[sflag:s9] =	ssyncadd.s32 $0xFFFFFF80  }
0x24: {  	[tilespmem:s0], [sflag:$0x4] =	stream.linear.gather [hbm4b:s23+s2], $0x40, $0x38;
	[tilespmem:$0x10380] =	vst v63  }
0x25: {  	_ =	swait.ge [sflag:s9], $0x40  }
0x26: {  	s23 =	rddreg [dreg:$0x8];
	[sflag:s9] =	ssyncset.done $0x0  }
0x27: {  	s0 =	rddreg [dreg:$0xe];
	[sflag:s9] =	ssyncadd.s32 $0xFFFFFFC0  }
0x28: {  	[tilespmem:s0], [sflag:$0x4] =	stream.linear.gather [hbm4b:s23+s2], $0x40, $0x38;
	[tilespmem:$0x10380] =	vst v63  }
0x29: {  	_ =	swait.ge [sflag:s9], $0x40  }
0x2a: {  	[sflag:s9] =	ssyncset.done $0x0  }
0x2b: {  	[sflag:s9] =	ssyncadd.s32 $0xFFFFFFC0  }
0x2c: {  	v3 =	vld [tilespmem:$0x0]  }
0x2d: {  	v4 =	vld [tilespmem:$0x80]  }
0x2e: {  	v5 =	vld [tilespmem:$0x100]  }
0x2f: {  	v6 =	vld [tilespmem:$0x90]  }
0x30: {  	v7 =	vld [tilespmem:$0x110]  }
0x31: {  	v9 =	vld [tilespmem:$0xA0];
	_ =	sdelay $0x1  }
0x32: {  	v11 =	vld [tilespmem:$0x120]  }
0x33: {  	v12 =	vld [tilespmem:$0xB0];
	v8 =	vshrl.u32 v4, $0xC;
	v10 =	vshrl.u32 v5, $0xC;
	v4 =	vand.u32 $0xFFF, v4  }
0x34: {  	v5 =	vand.u32 $0xFFF, v5;
	v39 =	vshrl.u32 v6, $0xC;
	v40 =	vshrl.u32 v7, $0xC  }
0x35: {  	v6 =	vand.u32 $0xFFF, v6;
	v14 =	vshrl.u32 v9, $0xC;
	v8 =	vperm.xlane v3, v8  }
0x36: {  	v13 =	vld [tilespmem:$0x130];
	v42 =	vand.u32 $0xFFF, v7;
	v45 =	vand.u32 $0xFFF, v9;
	v10 =	vperm.xlane v3, v10  }
0x37: {  	v46 =	vshrl.u32 v11, $0xC;
	v43 =	vperm.xlane v3, v14;
	v4 =	vadd.s32 v4, v8  }
0x38: {  	v49 =	vshrl.u32 v12, $0xC;
	v48 =	vperm.xlane v3, v46;
	v5 =	vadd.s32 v5, v10;
	[tilespmem:$0x180] =	vst v4  }
0x39: {  	v50 =	vand.u32 $0xFFF, v11;
	v7 =	vperm.xlane v3, v49;
	v47 =	vadd.s32 v45, v43;
	[tilespmem:$0x280] =	vst v5  }
0x3a: {  	v53 =	vand.u32 $0xFFF, v12;
	v8 =	vperm.xlane v3, v39;
	v52 =	vadd.s32 v50, v48;
	[tilespmem:$0x200] =	vst v47  }
0x3b: {  	v51 =	vshrl.u32 v13, $0xC;
	v10 =	vperm.xlane v3, v40;
	v54 =	vadd.s32 v53, v7;
	[tilespmem:$0x300] =	vst v52  }
0x3c: {  	v3 =	vperm.xlane v3, v51;
	[tilespmem:$0x210] =	vst v54;
	v41 =	vadd.s32 v6, v8  }
0x3d: {  	v55 =	vand.u32 $0xFFF, v13;
	v44 =	vadd.s32 v42, v10;
	[tilespmem:$0x190] =	vst v41  }
0x3e: {  	s23 =	rddreg [dreg:$0x9];
	v3 =	vadd.s32 v55, v3;
	[tilespmem:$0x290] =	vst v44  }
0x3f: {  	s0 =	rddreg [dreg:$0xf];
	[tilespmem:$0x310] =	vst v3  }
0x40: {  	[hbm4b:s23+s2] =	stream.linear.scatter [tilespmem:s0], [sflag:$0x4], $0x80, $0x38;
	[tilespmem:$0x10380] =	vst v63  }
0x41: {  	_ =	swait.ge [sflag:s9], $0x80  }
0x42: {  	s23 =	rddreg [dreg:$0xa];
	[sflag:s9] =	ssyncset.done $0x0  }
0x43: {  	s0 =	rddreg [dreg:$0x10];
	[sflag:s9] =	ssyncadd.s32 $0xFFFFFF80  }
0x44: {  	[hbm4b:s23+s2] =	stream.linear.scatter [tilespmem:s0], [sflag:$0x4], $0x80, $0x38;
	[tilespmem:$0x10380] =	vst v63  }
0x45: {  	_ =	swait.ge [sflag:s9], $0x80  }
0x46: {  	s23 =	rddreg [dreg:$0xb];
	[sflag:s9] =	ssyncset.done $0x0  }
0x47: {  	s0 =	rddreg [dreg:$0x11];
	[sflag:s9] =	ssyncadd.s32 $0xFFFFFF80  }
0x48: {  	[hbm4b:s23+s2] =	stream.linear.scatter [tilespmem:s0], [sflag:$0x4], $0x80, $0x38;
	[tilespmem:$0x10380] =	vst v63  }
0x49: {  	_ =	swait.ge [sflag:s9], $0x80  }
0x4a: {  	s23 =	rddreg [dreg:$0xc];
	[sflag:s9] =	ssyncset.done $0x0  }
0x4b: {  	s0 =	rddreg [dreg:$0x12];
	[sflag:s9] =	ssyncadd.s32 $0xFFFFFF80  }
0x4c: {  	[hbm4b:s23+s2] =	stream.linear.scatter [tilespmem:s0], [sflag:$0x4], $0x80, $0x38;
	[tilespmem:$0x10380] =	vst v63  }
0x4d: {  	_ =	swait.ge [sflag:s9], $0x80  }
0x4e: {  	[sflag:s9] =	ssyncset.done $0x0  }
0x4f: {  	s23 =	simm.s32 $0x1;
	[sflag:s9] =	ssyncadd.s32 $0xFFFFFF80  }
0x50: {  	_ =	swait.ge [sflag:s23], $0x10000  }
0x51: {  	[sflag:s23] =	ssyncset.done $0x0  }
0x52: {  	[sflag:s23] =	ssyncadd.s32 $0xFFFF0000  }
0x53: {  	v3 =	vld [tilespmem:$0x180];
	_ =	sdelay $0x4  }
0x54: {  	v56 =	vshll.u32 v3, $0x3  }
0x55: {  	v3 =	vand.u32 $0x7, v3;
	v4 =	vand.u32 $0xFFFFFFC0, v56  }
0x56: {  	v3 =	vor.u32 v3, v4  }
0x57: {  	v4 =	vperm.xlane v3, v0;
	_ =	sdelay $0x1  }
0x58: {  	v4 =	vadd.s32 v1, v4;
	_ =	sdelay $0x3  }
0x59: {  	s1 =	simm.s32 $0x380  }
0x5a: {  	[hbm4b:s3+s2] =	stream.indirect_vreg.scatter [tilespmem:s1], [sflag:$0x2], $0x80, v4, vm0, $0xb8;
	[tilespmem:$0x10380] =	vst v63  }
0x5b: {  	s22 =	simm.s32 $0xB80;
	v3 =	vperm.xlane v3, v2  }
0x5c: {  	[hbm4b:s4+s2] =	stream.indirect_vreg.scatter [tilespmem:s22], [sflag:$0x2], $0x80, v4, vm0, $0xb8;
	[tilespmem:$0x10380] =	vst v63  }
0x5d: {  	s23 =	simm.s32 $0x1380;
	v3 =	vadd.s32 v1, v3  }
0x5e: {  	[hbm4b:s5+s2] =	stream.indirect_vreg.scatter [tilespmem:s23], [sflag:$0x2], $0x80, v4, vm0, $0xb8;
	[tilespmem:$0x10380] =	vst v63  }
0x5f: {  	_ = 	snop  }
0x60: {  	[hbm4b:s6+s2] =	stream.indirect_vreg.scatter [tilespmem:s24], [sflag:$0x2], $0x80, v4, vm0, $0xb8;
	[tilespmem:$0x10380] =	vst v63  }
0x61: {  	_ = 	snop  }
0x62: {  	[hbm4b:s3+s2] =	stream.indirect_vreg.scatter [tilespmem:s25], [sflag:$0x2], $0x80, v3, vm0, $0xb8;
	[tilespmem:$0x10380] =	vst v63  }
0x63: {  	_ = 	snop  }
0x64: {  	[hbm4b:s4+s2] =	stream.indirect_vreg.scatter [tilespmem:s26], [sflag:$0x2], $0x80, v3, vm0, $0xb8;
	[tilespmem:$0x10380] =	vst v63  }
0x65: {  	_ = 	snop  }
0x66: {  	[hbm4b:s5+s2] =	stream.indirect_vreg.scatter [tilespmem:s28], [sflag:$0x2], $0x80, v3, vm0, $0xb8;
	[tilespmem:$0x10380] =	vst v63  }
0x67: {  	_ = 	snop  }
0x68: {  	[hbm4b:s6+s2] =	stream.indirect_vreg.scatter [tilespmem:s29], [sflag:$0x2], $0x80, v3, vm0, $0xb8;
	[tilespmem:$0x10380] =	vst v63  }
0x69: {  	v3 =	vld [tilespmem:$0x190];
	_ =	sdelay $0x4  }
0x6a: {  	v57 =	vshll.u32 v3, $0x3  }
0x6b: {  	v3 =	vand.u32 $0x7, v3;
	v4 =	vand.u32 $0xFFFFFFC0, v57  }
0x6c: {  	v3 =	vor.u32 v3, v4  }
0x6d: {  	v4 =	vperm.xlane v3, v0;
	_ =	sdelay $0x1  }
0x6e: {  	v4 =	vadd.s32 v1, v4;
	_ =	sdelay $0x4  }
0x6f: {  	[hbm4b:s3+s2] =	stream.indirect_vreg.scatter [tilespmem:s30], [sflag:$0x2], $0x80, v4, vm0, $0xb8;
	[tilespmem:$0x10380] =	vst v63  }
0x70: {  	v3 =	vperm.xlane v3, v2  }
0x71: {  	[hbm4b:s4+s2] =	stream.indirect_vreg.scatter [tilespmem:s31], [sflag:$0x2], $0x80, v4, vm0, $0xb8;
	[tilespmem:$0x10380] =	vst v63  }
0x72: {  	s1 =	simm.s32 $0x5380;
	v3 =	vadd.s32 v1, v3  }
0x73: {  	[hbm4b:s5+s2] =	stream.indirect_vreg.scatter [tilespmem:s1], [sflag:$0x2], $0x80, v4, vm0, $0xb8;
	[tilespmem:$0x10380] =	vst v63  }
0x74: {  	s1 =	simm.s32 $0x5B80  }
0x75: {  	[hbm4b:s6+s2] =	stream.indirect_vreg.scatter [tilespmem:s1], [sflag:$0x2], $0x80, v4, vm0, $0xb8;
	[tilespmem:$0x10380] =	vst v63  }
0x76: {  	_ = 	snop  }
0x77: {  	[hbm4b:s3+s2] =	stream.indirect_vreg.scatter [tilespmem:s11], [sflag:$0x2], $0x80, v3, vm0, $0xb8;
	[tilespmem:$0x10380] =	vst v63  }
0x78: {  	_ = 	snop  }
0x79: {  	[hbm4b:s4+s2] =	stream.indirect_vreg.scatter [tilespmem:s12], [sflag:$0x2], $0x80, v3, vm0, $0xb8;
	[tilespmem:$0x10380] =	vst v63  }
0x7a: {  	_ = 	snop  }
0x7b: {  	[hbm4b:s5+s2] =	stream.indirect_vreg.scatter [tilespmem:s13], [sflag:$0x2], $0x80, v3, vm0, $0xb8;
	[tilespmem:$0x10380] =	vst v63  }
0x7c: {  	_ = 	snop  }
0x7d: {  	[hbm4b:s6+s2] =	stream.indirect_vreg.scatter [tilespmem:s14], [sflag:$0x2], $0x80, v3, vm0, $0xb8;
	[tilespmem:$0x10380] =	vst v63  }
0x7e: {  	v3 =	vld [tilespmem:$0x200];
	_ =	sdelay $0x4  }
0x7f: {  	v58 =	vshll.u32 v3, $0x3  }
0x80: {  	v3 =	vand.u32 $0x7, v3;
	v4 =	vand.u32 $0xFFFFFFC0, v58  }
0x81: {  	v3 =	vor.u32 v3, v4  }
0x82: {  	v4 =	vperm.xlane v3, v0;
	_ =	sdelay $0x1  }
0x83: {  	v4 =	vadd.s32 v1, v4;
	_ =	sdelay $0x4  }
0x84: {  	[hbm4b:s3+s2] =	stream.indirect_vreg.scatter [tilespmem:s15], [sflag:$0x3], $0x80, v4, vm0, $0xb8;
	[tilespmem:$0x10380] =	vst v63  }
0x85: {  	v3 =	vperm.xlane v3, v2  }
0x86: {  	[hbm4b:s4+s2] =	stream.indirect_vreg.scatter [tilespmem:s16], [sflag:$0x3], $0x80, v4, vm0, $0xb8;
	[tilespmem:$0x10380] =	vst v63  }
0x87: {  	v3 =	vadd.s32 v1, v3  }
0x88: {  	[hbm4b:s5+s2] =	stream.indirect_vreg.scatter [tilespmem:s17], [sflag:$0x3], $0x80, v4, vm0, $0xb8;
	[tilespmem:$0x10380] =	vst v63  }
0x89: {  	_ = 	snop  }
0x8a: {  	[hbm4b:s6+s2] =	stream.indirect_vreg.scatter [tilespmem:s18], [sflag:$0x3], $0x80, v4, vm0, $0xb8;
	[tilespmem:$0x10380] =	vst v63  }
0x8b: {  	_ = 	snop  }
0x8c: {  	[hbm4b:s3+s2] =	stream.indirect_vreg.scatter [tilespmem:s19], [sflag:$0x3], $0x80, v3, vm0, $0xb8;
	[tilespmem:$0x10380] =	vst v63  }
0x8d: {  	_ = 	snop  }
0x8e: {  	[hbm4b:s4+s2] =	stream.indirect_vreg.scatter [tilespmem:s8], [sflag:$0x3], $0x80, v3, vm0, $0xb8;
	[tilespmem:$0x10380] =	vst v63  }
0x8f: {  	_ = 	snop  }
0x90: {  	[hbm4b:s5+s2] =	stream.indirect_vreg.scatter [tilespmem:s10], [sflag:$0x3], $0x80, v3, vm0, $0xb8;
	[tilespmem:$0x10380] =	vst v63  }
0x91: {  	_ = 	snop  }
0x92: {  	[hbm4b:s6+s2] =	stream.indirect_vreg.scatter [tilespmem:s20], [sflag:$0x3], $0x80, v3, vm0, $0xb8;
	[tilespmem:$0x10380] =	vst v63  }
0x93: {  	v3 =	vld [tilespmem:$0x210];
	_ =	sdelay $0x4  }
0x94: {  	v59 =	vshll.u32 v3, $0x3  }
0x95: {  	v3 =	vand.u32 $0x7, v3;
	v4 =	vand.u32 $0xFFFFFFC0, v59  }
0x96: {  	v3 =	vor.u32 v3, v4  }
0x97: {  	v4 =	vperm.xlane v3, v0;
	_ =	sdelay $0x1  }
0x98: {  	v4 =	vadd.s32 v1, v4;
	_ =	sdelay $0x4  }
0x99: {  	[hbm4b:s3+s2] =	stream.indirect_vreg.scatter [tilespmem:s21], [sflag:$0x3], $0x80, v4, vm0, $0xb8;
	[tilespmem:$0x10380] =	vst v63  }
0x9a: {  	s0 =	simm.s32 $0xCB80;
	v3 =	vperm.xlane v3, v2  }
0x9b: {  	[hbm4b:s4+s2] =	stream.indirect_vreg.scatter [tilespmem:s0], [sflag:$0x3], $0x80, v4, vm0, $0xb8;
	[tilespmem:$0x10380] =	vst v63  }
0x9c: {  	v3 =	vadd.s32 v1, v3;
	s0 =	simm.s32 $0xD380  }
0x9d: {  	[hbm4b:s5+s2] =	stream.indirect_vreg.scatter [tilespmem:s0], [sflag:$0x3], $0x80, v4, vm0, $0xb8;
	[tilespmem:$0x10380] =	vst v63  }
0x9e: {  	s0 =	simm.s32 $0xDB80  }
0x9f: {  	[hbm4b:s6+s2] =	stream.indirect_vreg.scatter [tilespmem:s0], [sflag:$0x3], $0x80, v4, vm0, $0xb8;
	[tilespmem:$0x10380] =	vst v63  }
0xa0: {  	s0 =	simm.s32 $0xE380  }
0xa1: {  	[hbm4b:s3+s2] =	stream.indirect_vreg.scatter [tilespmem:s0], [sflag:$0x3], $0x80, v3, vm0, $0xb8;
	[tilespmem:$0x10380] =	vst v63  }
0xa2: {  	s0 =	simm.s32 $0xEB80  }
0xa3: {  	[hbm4b:s4+s2] =	stream.indirect_vreg.scatter [tilespmem:s0], [sflag:$0x3], $0x80, v3, vm0, $0xb8;
	[tilespmem:$0x10380] =	vst v63  }
0xa4: {  	s0 =	simm.s32 $0xF380  }
0xa5: {  	[hbm4b:s5+s2] =	stream.indirect_vreg.scatter [tilespmem:s0], [sflag:$0x3], $0x80, v3, vm0, $0xb8;
	[tilespmem:$0x10380] =	vst v63  }
0xa6: {  	s0 =	simm.s32 $0xFB80  }
0xa7: {  	[hbm4b:s6+s2] =	stream.indirect_vreg.scatter [tilespmem:s0], [sflag:$0x3], $0x80, v3, vm0, $0xb8;
	[tilespmem:$0x10380] =	vst v63  }
0xa8: {  	v3 =	vld [tilespmem:$0x280];
	_ =	sdelay $0x4  }
0xa9: {  	v60 =	vshll.u32 v3, $0x3  }
0xaa: {  	v3 =	vand.u32 $0x7, v3;
	v4 =	vand.u32 $0xFFFFFFC0, v60  }
0xab: {  	v3 =	vor.u32 v3, v4  }
0xac: {  	v4 =	vperm.xlane v3, v0;
	_ =	sdelay $0x1  }
0xad: {  	v4 =	vadd.s32 v1, v4;
	_ =	sdelay $0x3  }
0xae: {  	s0 =	simm.s32 $0x380  }
0xaf: {  	[hbm4b:s3+s2] =	stream.indirect_vreg.scatter [tilespmem:s0], [sflag:$0x2], $0x80, v4, vm0, $0xb8;
	[tilespmem:$0x10380] =	vst v63  }
0xb0: {  	v3 =	vperm.xlane v3, v2  }
0xb1: {  	[hbm4b:s4+s2] =	stream.indirect_vreg.scatter [tilespmem:s22], [sflag:$0x2], $0x80, v4, vm0, $0xb8;
	[tilespmem:$0x10380] =	vst v63  }
0xb2: {  	v3 =	vadd.s32 v1, v3  }
0xb3: {  	[hbm4b:s5+s2] =	stream.indirect_vreg.scatter [tilespmem:s23], [sflag:$0x2], $0x80, v4, vm0, $0xb8;
	[tilespmem:$0x10380] =	vst v63  }
0xb4: {  	_ = 	snop  }
0xb5: {  	[hbm4b:s6+s2] =	stream.indirect_vreg.scatter [tilespmem:s24], [sflag:$0x2], $0x80, v4, vm0, $0xb8;
	[tilespmem:$0x10380] =	vst v63  }
0xb6: {  	_ = 	snop  }
0xb7: {  	[hbm4b:s3+s2] =	stream.indirect_vreg.scatter [tilespmem:s25], [sflag:$0x2], $0x80, v3, vm0, $0xb8;
	[tilespmem:$0x10380] =	vst v63  }
0xb8: {  	_ = 	snop  }
0xb9: {  	[hbm4b:s4+s2] =	stream.indirect_vreg.scatter [tilespmem:s26], [sflag:$0x2], $0x80, v3, vm0, $0xb8;
	[tilespmem:$0x10380] =	vst v63  }
0xba: {  	_ = 	snop  }
0xbb: {  	[hbm4b:s5+s2] =	stream.indirect_vreg.scatter [tilespmem:s28], [sflag:$0x2], $0x80, v3, vm0, $0xb8;
	[tilespmem:$0x10380] =	vst v63  }
0xbc: {  	_ = 	snop  }
0xbd: {  	[hbm4b:s6+s2] =	stream.indirect_vreg.scatter [tilespmem:s29], [sflag:$0x2], $0x80, v3, vm0, $0xb8;
	[tilespmem:$0x10380] =	vst v63  }
0xbe: {  	v3 =	vld [tilespmem:$0x290];
	_ =	sdelay $0x4  }
0xbf: {  	v61 =	vshll.u32 v3, $0x3  }
0xc0: {  	v3 =	vand.u32 $0x7, v3;
	v4 =	vand.u32 $0xFFFFFFC0, v61  }
0xc1: {  	v3 =	vor.u32 v3, v4  }
0xc2: {  	v4 =	vperm.xlane v3, v0;
	_ =	sdelay $0x1  }
0xc3: {  	v4 =	vadd.s32 v1, v4;
	_ =	sdelay $0x4  }
0xc4: {  	[hbm4b:s3+s2] =	stream.indirect_vreg.scatter [tilespmem:s30], [sflag:$0x2], $0x80, v4, vm0, $0xb8;
	[tilespmem:$0x10380] =	vst v63  }
0xc5: {  	v3 =	vperm.xlane v3, v2  }
0xc6: {  	[hbm4b:s4+s2] =	stream.indirect_vreg.scatter [tilespmem:s31], [sflag:$0x2], $0x80, v4, vm0, $0xb8;
	[tilespmem:$0x10380] =	vst v63  }
0xc7: {  	s23 =	simm.s32 $0x5380;
	v3 =	vadd.s32 v1, v3  }
0xc8: {  	[hbm4b:s5+s2] =	stream.indirect_vreg.scatter [tilespmem:s23], [sflag:$0x2], $0x80, v4, vm0, $0xb8;
	[tilespmem:$0x10380] =	vst v63  }
0xc9: {  	_ = 	snop  }
0xca: {  	[hbm4b:s6+s2] =	stream.indirect_vreg.scatter [tilespmem:s1], [sflag:$0x2], $0x80, v4, vm0, $0xb8;
	[tilespmem:$0x10380] =	vst v63  }
0xcb: {  	_ = 	snop  }
0xcc: {  	[hbm4b:s3+s2] =	stream.indirect_vreg.scatter [tilespmem:s11], [sflag:$0x2], $0x80, v3, vm0, $0xb8;
	[tilespmem:$0x10380] =	vst v63  }
0xcd: {  	_ = 	snop  }
0xce: {  	[hbm4b:s4+s2] =	stream.indirect_vreg.scatter [tilespmem:s12], [sflag:$0x2], $0x80, v3, vm0, $0xb8;
	[tilespmem:$0x10380] =	vst v63  }
0xcf: {  	_ = 	snop  }
0xd0: {  	[hbm4b:s5+s2] =	stream.indirect_vreg.scatter [tilespmem:s13], [sflag:$0x2], $0x80, v3, vm0, $0xb8;
	[tilespmem:$0x10380] =	vst v63  }
0xd1: {  	_ = 	snop  }
0xd2: {  	[hbm4b:s6+s2] =	stream.indirect_vreg.scatter [tilespmem:s14], [sflag:$0x2], $0x80, v3, vm0, $0xb8;
	[tilespmem:$0x10380] =	vst v63  }
0xd3: {  	v3 =	vld [tilespmem:$0x300];
	_ =	sdelay $0x4  }
0xd4: {  	v62 =	vshll.u32 v3, $0x3  }
0xd5: {  	v3 =	vand.u32 $0x7, v3;
	v4 =	vand.u32 $0xFFFFFFC0, v62  }
0xd6: {  	v3 =	vor.u32 v3, v4  }
0xd7: {  	v4 =	vperm.xlane v3, v0;
	_ =	sdelay $0x1  }
0xd8: {  	v4 =	vadd.s32 v1, v4;
	_ =	sdelay $0x4  }
0xd9: {  	[hbm4b:s3+s2] =	stream.indirect_vreg.scatter [tilespmem:s15], [sflag:$0x3], $0x80, v4, vm0, $0xb8;
	[tilespmem:$0x10380] =	vst v63  }
0xda: {  	v3 =	vperm.xlane v3, v2  }
0xdb: {  	[hbm4b:s4+s2] =	stream.indirect_vreg.scatter [tilespmem:s16], [sflag:$0x3], $0x80, v4, vm0, $0xb8;
	[tilespmem:$0x10380] =	vst v63  }
0xdc: {  	v3 =	vadd.s32 v1, v3  }
0xdd: {  	[hbm4b:s5+s2] =	stream.indirect_vreg.scatter [tilespmem:s17], [sflag:$0x3], $0x80, v4, vm0, $0xb8;
	[tilespmem:$0x10380] =	vst v63  }
0xde: {  	_ = 	snop  }
0xdf: {  	[hbm4b:s6+s2] =	stream.indirect_vreg.scatter [tilespmem:s18], [sflag:$0x3], $0x80, v4, vm0, $0xb8;
	[tilespmem:$0x10380] =	vst v63  }
0xe0: {  	_ = 	snop  }
0xe1: {  	[hbm4b:s3+s2] =	stream.indirect_vreg.scatter [tilespmem:s19], [sflag:$0x3], $0x80, v3, vm0, $0xb8;
	[tilespmem:$0x10380] =	vst v63  }
0xe2: {  	_ = 	snop  }
0xe3: {  	[hbm4b:s4+s2] =	stream.indirect_vreg.scatter [tilespmem:s8], [sflag:$0x3], $0x80, v3, vm0, $0xb8;
	[tilespmem:$0x10380] =	vst v63  }
0xe4: {  	_ = 	snop  }
0xe5: {  	[hbm4b:s5+s2] =	stream.indirect_vreg.scatter [tilespmem:s10], [sflag:$0x3], $0x80, v3, vm0, $0xb8;
	[tilespmem:$0x10380] =	vst v63  }
0xe6: {  	_ = 	snop  }
0xe7: {  	[hbm4b:s6+s2] =	stream.indirect_vreg.scatter [tilespmem:s20], [sflag:$0x3], $0x80, v3, vm0, $0xb8;
	[tilespmem:$0x10380] =	vst v63  }
0xe8: {  	v3 =	vld [tilespmem:$0x310];
	_ =	sdelay $0x4  }
0xe9: {  	v63 =	vshll.u32 v3, $0x3  }
0xea: {  	v3 =	vand.u32 $0x7, v3;
	v4 =	vand.u32 $0xFFFFFFC0, v63  }
0xeb: {  	v3 =	vor.u32 v3, v4  }
0xec: {  	v4 =	vperm.xlane v3, v0;
	_ =	sdelay $0x1  }
0xed: {  	v4 =	vadd.s32 v1, v4;
	_ =	sdelay $0x4  }
0xee: {  	[hbm4b:s3+s2] =	stream.indirect_vreg.scatter [tilespmem:s21], [sflag:$0x3], $0x80, v4, vm0, $0xb8;
	[tilespmem:$0x10380] =	vst v63  }
0xef: {  	s1 =	simm.s32 $0xCB80;
	v3 =	vperm.xlane v3, v2  }
0xf0: {  	[hbm4b:s4+s2] =	stream.indirect_vreg.scatter [tilespmem:s1], [sflag:$0x3], $0x80, v4, vm0, $0xb8;
	[tilespmem:$0x10380] =	vst v63  }
0xf1: {  	s22 =	simm.s32 $0xD380;
	v3 =	vadd.s32 v1, v3  }
0xf2: {  	[hbm4b:s5+s2] =	stream.indirect_vreg.scatter [tilespmem:s22], [sflag:$0x3], $0x80, v4, vm0, $0xb8;
	[tilespmem:$0x10380] =	vst v63  }
0xf3: {  	s23 =	simm.s32 $0xDB80  }
0xf4: {  	[hbm4b:s6+s2] =	stream.indirect_vreg.scatter [tilespmem:s23], [sflag:$0x3], $0x80, v4, vm0, $0xb8;
	[tilespmem:$0x10380] =	vst v63  }
0xf5: {  	s1 =	simm.s32 $0xE380  }
0xf6: {  	[hbm4b:s3+s2] =	stream.indirect_vreg.scatter [tilespmem:s1], [sflag:$0x3], $0x80, v3, vm0, $0xb8;
	[tilespmem:$0x10380] =	vst v63  }
0xf7: {  	s22 =	simm.s32 $0xEB80  }
0xf8: {  	[hbm4b:s4+s2] =	stream.indirect_vreg.scatter [tilespmem:s22], [sflag:$0x3], $0x80, v3, vm0, $0xb8;
	[tilespmem:$0x10380] =	vst v63  }
0xf9: {  	s23 =	simm.s32 $0xF380  }
0xfa: {  	[hbm4b:s5+s2] =	stream.indirect_vreg.scatter [tilespmem:s23], [sflag:$0x3], $0x80, v3, vm0, $0xb8;
	[tilespmem:$0x10380] =	vst v63  }
0xfb: {  	s1 =	simm.s32 $0xFB80;
	s22 =	simm.s32 $0x2  }
0xfc: {  	[hbm4b:s6+s2] =	stream.indirect_vreg.scatter [tilespmem:s1], [sflag:$0x3], $0x80, v3, vm0, $0xb8;
	[tilespmem:$0x10380] =	vst v63  }
0xfd: {  	_ =	swait.ge [sflag:s22], $0x8000  }
0xfe: {  	[sflag:s22] =	ssyncset.done $0x0  }
0xff: {  	s23 =	simm.s32 $0x3;
	[sflag:s22] =	ssyncadd.s32 $0xFFFF8000  }
0x100: {  	_ =	swait.ge [sflag:s23], $0x8000  }
0x101: {  	[sflag:s23] =	ssyncset.done $0x0  }
0x102: {  	[sflag:s23] =	ssyncadd.s32 $0xFFFF8000  }
0x103: {  	p0 =	sne.s32 s7, $0x1;
	_ =	swait.ge [sflag:s22], $0x8000  }
.Ltmp0:
0x104: {  	[sflag:s22] =	ssyncset.done $0x0;
	(pc) =	sbr.rel @p0 .LBB2_1-.Ltmp0, $4  }
0x105: {  	[sflag:s22] =	ssyncadd.s32 $0xFFFF8000  }
0x106: {  	_ =	swait.ge [sflag:s23], $0x8000  }
0x107: {  	[sflag:s23] =	ssyncset.done $0x0  }
0x108: {  	s7 =	sadd.s32 $0xFFFFFFFF, s7;
	[sflag:s23] =	ssyncadd.s32 $0xFFFF8000  }
0x109: {  	_ =	sfence.sel $0x180000  }
0x10a: {  	[bflag:$0x0] =	sbarrier.arrive $0xFFFF  }
0x10b: {  	_ =	strace $0x90000047  }
0x10c: {  	s0 =	stileid.u32;
	[bflag:$0x2] =	sbarrier.arrive $0xFFFF  }
0x10d: {  	p0 =	sne.s32 s0, $0x0;
	s0 =	rddreg [dreg:$0x4]  }
0x10e: {  	s0 =	sadd.s32 @!p0 $0x100000, s0  }
0x10f: {  	[sflag:s0] =	ssyncadd.tile.s32 @!p0 $0x1;
	_ =	shalt  }
.Lfunc_end2:
_tile_overlayer_lowered:
.L_overlay_start_2:
0x110: {  	(tag) =	ssettag $0x2  }
0x111: {  	s0 =	rddreg [dreg:$0x0];
	s2 =	stileid.u32  }
0x112: {  	s1 =	rddreg [dreg:$0x1];
	p0 =	sne.s32 s2, $0x0  }
0x113: {  	s3 =	rddreg [dreg:$0x2];
	[bflag:$0x3] =	sbarrier.arrive $0xFFFF;
	s2 =	simm.s32 @!p0 $0x1C04  }
0x114: {  	[timem:s3], [sflag:s2] =	dma.local @!p0 [hbm:s0], s1  }
0x115: {  	s0 =	simm.s32 @!p0 $0x4  }
0x116: {  	_ =	swait.ge @!p0 [sflag:s0], s1  }
0x117: {  	s1 =	ssub.s32 @!p0 $0x0, s1;
	[sflag:s0] =	ssyncset.done @!p0 $0x0  }
0x118: {  	[sflag:s0] =	ssyncadd.s32 @!p0 s1  }
0x119: {  	[bflag:$0x3] =	sbarrier.arrive $0xFFFF  }
0x11a: {  	_ =	shalt  }

</sc_bundles>
